<compile_context>
chip_gen: v7x
topology: tpu7x:2x2x1
jax: 0.10.2.dev20260603
libtpu: 0.0.44.dev20260713+nightly
codegen_flags: <defaults>
</compile_context>

<pallas_src>
import functools

import jax
import jax.numpy as jnp
from jax import lax
from jax.experimental import pallas as pl
from jax.experimental.pallas import tpu as pltpu
from jax.experimental.pallas import tpu_sc as plsc

N = 10000
D = 128
NC = 2
NS = 16
NW = NC * NS
CHUNK = 128
ACC_ROWS = 10112
RPT = ACC_ROWS // NS
BR = 1000
EPS = 1e-5



def _sc_agg(h, srcf, dst3, zf, K):
    mesh = plsc.VectorSubcoreMesh(core_axis_name="c", subcore_axis_name="s")

    @functools.partial(
        pl.kernel,
        out_type=jax.ShapeDtypeStruct((NC, ACC_ROWS, D), jnp.float32),
        mesh=mesh,
        scratch_types=(
            pltpu.VMEM((1, CHUNK), jnp.int32),
            pltpu.VMEM((1, CHUNK), jnp.int32),
            pltpu.VMEM((K, CHUNK), jnp.int32),
            pltpu.VMEM((CHUNK, D), jnp.float32),
            pltpu.VMEM((CHUNK, D), jnp.float32),
            pltpu.VMEM_SHARED((ACC_ROWS, D), jnp.float32),
            pltpu.SemaphoreType.DMA,
            pltpu.SemaphoreType.DMA,
            pltpu.SemaphoreType.DMA,
            pltpu.SemaphoreType.DMA,
        ),
    )
    def k(h_hbm, src_hbm, dst_hbm, zf_hbm, agg_hbm,
          src_a, src_b, dst_v, rows_a, rows_b, acc_s,
          sem_ia, sem_ib, sem_ga, sem_gb):
        c = lax.axis_index("c")
        s = lax.axis_index("s")
        w = c * NS + s
        base = s * RPT
        pltpu.sync_copy(dst_hbm.at[w], dst_v)
        pltpu.sync_copy(zf_hbm.at[pl.ds(base, RPT)],
                        acc_s.at[pl.ds(base, RPT)])
        plsc.subcore_barrier()

        pltpu.async_copy(src_hbm.at[w * K], src_a, sem_ia)
        pltpu.async_copy(src_hbm.at[w * K + 1], src_b, sem_ib)
        pltpu.make_async_copy(src_hbm.at[w * K], src_a, sem_ia).wait()
        pltpu.async_copy(h_hbm.at[src_a.at[0]], rows_a, sem_ga)

        def step(j, srcb, rowsb, othersrc, otherrows, sem_i, sem_io,
                 sem_g, sem_go):
            @pl.when(j + 1 < K)
            def _():
                pltpu.make_async_copy(src_hbm.at[w * K], othersrc,
                                      sem_io).wait()
                pltpu.async_copy(h_hbm.at[othersrc.at[0]], otherrows, sem_go)

            pltpu.make_async_copy(h_hbm.at[srcb.at[0]], rowsb, sem_g).wait()
            pltpu.sync_copy(rowsb, acc_s.at[dst_v.at[j]], add=True)

            @pl.when(j + 2 < K)
            def _():
                pltpu.async_copy(src_hbm.at[w * K + j + 2], srcb, sem_i)

        def loop(jj, carry):
            j = jj * 2
            step(j, src_a, rows_a, src_b, rows_b,
                 sem_ia, sem_ib, sem_ga, sem_gb)
            step(j + 1, src_b, rows_b, src_a, rows_a,
                 sem_ib, sem_ia, sem_gb, sem_ga)
            return carry

        lax.fori_loop(0, K // 2, loop, 0)
        plsc.subcore_barrier()
        pltpu.sync_copy(acc_s.at[pl.ds(base, RPT)],
                        agg_hbm.at[c, pl.ds(base, RPT)])

    return k(h, srcf, dst3, zf)


def _sc_deg(dst3, ones, zf, K):
    mesh = plsc.VectorSubcoreMesh(core_axis_name="c", subcore_axis_name="s")

    @functools.partial(
        pl.kernel,
        out_type=jax.ShapeDtypeStruct((NC, ACC_ROWS, D), jnp.float32),
        mesh=mesh,
        scratch_types=(
            pltpu.VMEM((K, CHUNK), jnp.int32),
            pltpu.VMEM((CHUNK, D), jnp.float32),
            pltpu.VMEM_SHARED((ACC_ROWS, D), jnp.float32),
            pltpu.SemaphoreType.DMA,
        ),
    )
    def k(dst_hbm, ones_hbm, zf_hbm, deg_hbm, dst_v, ones_v, deg_s, sem):
        c = lax.axis_index("c")
        s = lax.axis_index("s")
        w = c * NS + s
        base = s * RPT
        pltpu.sync_copy(dst_hbm.at[w], dst_v)
        pltpu.sync_copy(ones_hbm, ones_v)
        pltpu.sync_copy(zf_hbm.at[pl.ds(base, RPT)],
                        deg_s.at[pl.ds(base, RPT)])
        plsc.subcore_barrier()

        def loop(j, carry):
            pltpu.async_copy(ones_v, deg_s.at[dst_v.at[j]], sem, add=True)

            @pl.when(j >= 8)
            def _():
                pltpu.make_async_copy(ones_v, deg_s.at[dst_v.at[0]],
                                      sem).wait()
            return carry

        lax.fori_loop(0, K, loop, 0)

        def drain(j, carry):
            pltpu.make_async_copy(ones_v, deg_s.at[dst_v.at[0]], sem).wait()
            return carry

        lax.fori_loop(0, 8, drain, 0)
        plsc.subcore_barrier()
        pltpu.sync_copy(deg_s.at[pl.ds(base, RPT)],
                        deg_hbm.at[c, pl.ds(base, RPT)])

    return k(dst3, ones, zf)



def _log1p_body(x_ref, o_ref):
    o_ref[...] = jnp.log(x_ref[...] + 1.0)


def _tc_log1p(x):
    return pl.pallas_call(
        _log1p_body,
        grid=(N // BR,),
        in_specs=[pl.BlockSpec((BR, D), lambda i: (i, 0))],
        out_specs=pl.BlockSpec((BR, D), lambda i: (i, 0)),
        out_shape=jax.ShapeDtypeStruct((N, D), jnp.float32),
    )(x)


def _stats_update(i, y, st_ref):
    @pl.when(i == 0)
    def _():
        st_ref[...] = jnp.zeros_like(st_ref)

    st_ref[...] += jnp.concatenate(
        [jnp.sum(y, axis=0, keepdims=True),
         jnp.broadcast_to(jnp.sum(y * y), (1, D))], axis=0)


def _mm1_body(h_ref, a_ref, d_ref, ws_ref, wn_ref, b_ref, y_ref, st_ref):
    i = pl.program_id(0)
    a = a_ref[0] + a_ref[1]
    deg = d_ref[...]
    hn = a / jnp.maximum(deg, 1.0)
    z = jnp.dot(h_ref[...], ws_ref[...], preferred_element_type=jnp.float32)
    z += jnp.dot(hn, wn_ref[...], preferred_element_type=jnp.float32)
    y = jnp.maximum(z + b_ref[...], 0.0)
    y_ref[...] = y
    _stats_update(i, y, st_ref)


def _mm2_body(h_ref, a_ref, d_ref, ws_ref, wn_ref, b_ref, st_in_ref,
              y_ref, st_ref):
    i = pl.program_id(0)
    st = st_in_ref[...]
    mu = st[0:1] / N
    var = st[1, 0] / N - jnp.sum(mu * mu)
    cc = lax.rsqrt(var + EPS)
    a = a_ref[0] + a_ref[1]
    deg = d_ref[...]
    h1 = (h_ref[...] - mu) * cc
    hn = (a - deg * mu) * cc / jnp.maximum(deg, 1.0)
    z = jnp.dot(h1, ws_ref[...], preferred_element_type=jnp.float32)
    z += jnp.dot(hn, wn_ref[...], preferred_element_type=jnp.float32)
    y = jnp.maximum(z + b_ref[...], 0.0)
    y_ref[...] = y
    _stats_update(i, y, st_ref)


def _full(shape):
    return pl.BlockSpec(shape, lambda i: tuple(0 for _ in shape))


def _tc_mm(body, h, aggp, degp, Ws, Wn, b, st_in=None):
    in_specs = [
        pl.BlockSpec((BR, D), lambda i: (i, 0)),
        pl.BlockSpec((NC, BR, D), lambda i: (0, i, 0)),
        pl.BlockSpec((BR, 1), lambda i: (i, 0)),
        _full((D, D)),
        _full((D, D)),
        _full((1, D)),
    ]
    args = [h, aggp, degp, Ws, Wn, b.reshape(1, D)]
    if st_in is not None:
        in_specs.append(_full((2, D)))
        args.append(st_in)
    return pl.pallas_call(
        body,
        grid=(N // BR,),
        in_specs=in_specs,
        out_specs=(pl.BlockSpec((BR, D), lambda i: (i, 0)),
                   _full((2, D))),
        out_shape=(jax.ShapeDtypeStruct((N, D), jnp.float32),
                   jax.ShapeDtypeStruct((2, D), jnp.float32)),
    )(*args)


def _norm_body(y_ref, st_ref, o_ref):
    st = st_ref[...]
    mu = st[0:1] / N
    var = st[1, 0] / N - jnp.sum(mu * mu)
    cc = lax.rsqrt(var + EPS)
    o_ref[...] = (y_ref[...] - mu) * cc


def _tc_norm(y, st):
    return pl.pallas_call(
        _norm_body,
        grid=(N // BR,),
        in_specs=[pl.BlockSpec((BR, D), lambda i: (i, 0)), _full((2, D))],
        out_specs=pl.BlockSpec((BR, D), lambda i: (i, 0)),
        out_shape=jax.ShapeDtypeStruct((N, D), jnp.float32),
    )(y, st)



def kernel(x, edge_index, W_self0, W_neigh0, b0, W_self1, W_neigh1, b1):
    E = edge_index.shape[1]
    K = -(-E // (NW * CHUNK))
    K += K % 2
    e_pad = NW * K * CHUNK
    pad = e_pad - E
    pid = jnp.arange(pad, dtype=jnp.int32)
    srcf = jnp.concatenate(
        [edge_index[0], pid % N]).reshape(NW * K, 1, CHUNK)
    dst3 = jnp.concatenate(
        [edge_index[1], N + pid % (ACC_ROWS - N)]).reshape(NW, K, CHUNK)
    zf = jnp.zeros((ACC_ROWS, D), jnp.float32)
    ones = jnp.ones((CHUNK, D), jnp.float32)

    h0 = _tc_log1p(x)
    degp = _sc_deg(dst3, ones, zf, K)
    deg = degp[0, :N, :1] + degp[1, :N, :1]
    agg0 = _sc_agg(h0, srcf, dst3, zf, K)
    y1, st1 = _tc_mm(_mm1_body, h0, agg0, deg, W_self0, W_neigh0, b0)
    agg1 = _sc_agg(y1, srcf, dst3, zf, K)
    y2, st2 = _tc_mm(_mm2_body, y1, agg1, deg, W_self1, W_neigh1, b1,
                     st_in=st1)
    return _tc_norm(y2, st2)

# --- scband reference (transcript-rebuilt; emitter-appended) ---
"""Pipeline reference for scband-sage-48301202210899 (READ-ONLY COPY).

The authoritative reference and input builder live on the scoring server;
editing this copy changes nothing except your own understanding.
"""

import jax, jax.numpy as jnp
import numpy as np

N_NODES = 10000
N_EDGES = 320000
D_IN = 128
D_H = 128


def pair_norm(x, scale=1.0, eps=1e-5):
    # PairNorm: center across nodes, then rescale by mean row norm
    x = x - jnp.mean(x, axis=0, keepdims=True)
    rownorm_mean = jnp.sqrt(jnp.mean(jnp.sum(x * x, axis=1)) + eps)
    return scale * x / rownorm_mean


def sage_layer(h, src, dst, W_self, W_neigh, b):
    # DGL SAGEConv (aggregator_type='mean'): fc_self(h) + fc_neigh(mean of neighbor feats)
    msg = h[src]  # gather source node features along edges
    agg = jax.ops.segment_sum(msg, dst, num_segments=N_NODES)  # scatter-add to dst
    deg = jax.ops.segment_sum(jnp.ones((src.shape[0],), h.dtype), dst, num_segments=N_NODES)
    h_neigh = agg / jnp.maximum(deg, 1.0)[:, None]
    out = h @ W_self + h_neigh @ W_neigh + b
    out = jax.nn.relu(out)  # activation=F.relu
    out = pair_norm(out)    # norm=PairNorm
    return out


def setup_inputs(seed: int = 0) -> dict:
    key = jax.random.key(seed)
    ks = jax.random.split(key, 10)
    x = jax.random.uniform(ks[0], (N_NODES, D_IN), dtype=jnp.float32)
    edge_index = jax.random.randint(ks[1], (2, N_EDGES), 0, N_NODES, dtype=jnp.int32)
    s0 = 1.0 / np.sqrt(D_IN)
    s1 = 1.0 / np.sqrt(D_H)
    W_self0 = jax.random.normal(ks[2], (D_IN, D_H), dtype=jnp.float32) * s0
    W_neigh0 = jax.random.normal(ks[3], (D_IN, D_H), dtype=jnp.float32) * s0
    b0 = jnp.zeros((D_H,), dtype=jnp.float32)
    W_self1 = jax.random.normal(ks[4], (D_H, D_H), dtype=jnp.float32) * s1
    W_neigh1 = jax.random.normal(ks[5], (D_H, D_H), dtype=jnp.float32) * s1
    b1 = jnp.zeros((D_H,), dtype=jnp.float32)
    return {"x": x, "edge_index": edge_index, "W_self0": W_self0, "W_neigh0": W_neigh0, "b0": b0, "W_self1": W_self1, "W_neigh1": W_neigh1, "b1": b1}


def reference(x, edge_index, W_self0, W_neigh0, b0, W_self1, W_neigh1, b1):
    src = edge_index[0]
    dst = edge_index[1]
    h = jnp.log(x + 1.0)  # h = th.log(x + 1)
    # layer 0 (SAGEConv mean, activation relu, PairNorm)
    h = sage_layer(h, src, dst, W_self0, W_neigh0, b0)
    # layer 1 (final SAGEConv; feat_drop=0.2 is identity in eval mode)
    h = sage_layer(h, src, dst, W_self1, W_neigh1, b1)
    return h

if __name__ == "__main__":
    import jax
    _d = setup_inputs()
    print(jax.jit(kernel)(*tuple(_d.values())))

</pallas_src>

<mosaic_0001>
#map = affine_map<(d0, d1) -> (0, 0)>
#map1 = affine_map<(d0, d1) -> (0, 0, 0)>
module attributes {stable_mosaic.version = 14 : i64} {
  func.func @k(%arg0: i32, %arg1: i32, %arg2: memref<10000x128xf32, #tpu.memory_space<hbm>>, %arg3: memref<2560x1x128xi32, #tpu.memory_space<hbm>>, %arg4: memref<32x80x128xi32, #tpu.memory_space<hbm>>, %arg5: memref<10112x128xf32, #tpu.memory_space<hbm>>, %arg6: memref<2x10112x128xf32, #tpu.memory_space<hbm>>, %arg7: memref<1x128xi32, #tpu.memory_space<vmem>>, %arg8: memref<1x128xi32, #tpu.memory_space<vmem>>, %arg9: memref<80x128xi32, #tpu.memory_space<vmem>>, %arg10: memref<128x128xf32, #tpu.memory_space<vmem>>, %arg11: memref<128x128xf32, #tpu.memory_space<vmem>>, %arg12: memref<10112x128xf32, #tpu.memory_space<vmem_shared>>, %arg13: memref<!tpu.dma_semaphore, #tpu.memory_space<semaphore_mem>>, %arg14: memref<!tpu.dma_semaphore, #tpu.memory_space<semaphore_mem>>, %arg15: memref<!tpu.dma_semaphore, #tpu.memory_space<semaphore_mem>>, %arg16: memref<!tpu.dma_semaphore, #tpu.memory_space<semaphore_mem>>) attributes {dimension_semantics = [#tpu.dimension_semantics<core_parallel>, #tpu.dimension_semantics<subcore_parallel>], iteration_bounds = array<i64: 2, 16>, scalar_prefetch = 0 : i64, scratch_operands = 10 : i64, tpu.core_type = #tpu.core_type<sc_vector_subcore>, window_params = [{transform_indices = #map}, {transform_indices = #map1}, {transform_indices = #map1}, {transform_indices = #map}, {transform_indices = #map1}]} {
    %mul3A = arith.constant 16 : i32
    %mul3A_0 = arith.muli %arg0, %mul3A : i32
    %add3A = arith.addi %mul3A_0, %arg1 : i32
    %mul3A_1 = arith.constant 632 : i32
    %mul3A_2 = arith.muli %arg1, %mul3A_1 : i32
    "tpu.region"() ({
      %run_scoped3A = tpu.sem_alloc : memref<!tpu.dma_semaphore, #tpu.memory_space<semaphore_mem>>
      %dma_start3A_46 = arith.constant 0 : i32
      %dma_start3A_47 = arith.constant 0 : i32
      %dma_start3A_48 = tpu.memref_slice %arg4[%add3A, %dma_start3A_46, %dma_start3A_47] : memref<32x80x128xi32, #tpu.memory_space<hbm>> -> memref<1x80x128xi32, #tpu.memory_space<hbm>>
      %dma_start3A_49 = tpu.memref_squeeze %dma_start3A_48 : memref<1x80x128xi32, #tpu.memory_space<hbm>> -> memref<80x128xi32, #tpu.memory_space<hbm>>
      %dma_start3A_50 = arith.constant 0 : i32
      %dma_start3A_51 = arith.constant 0 : i32
      %dma_start3A_52 = tpu.memref_slice %arg4[%add3A, %dma_start3A_50, %dma_start3A_51] : memref<32x80x128xi32, #tpu.memory_space<hbm>> -> memref<1x80x128xi32, #tpu.memory_space<hbm>>
      %dma_start3A_53 = tpu.memref_squeeze %dma_start3A_52 : memref<1x80x128xi32, #tpu.memory_space<hbm>> -> memref<80x128xi32, #tpu.memory_space<hbm>>
      tpu.enqueue_dma source(%dma_start3A_53 : memref<80x128xi32, #tpu.memory_space<hbm>>) target(%arg9 : memref<80x128xi32, #tpu.memory_space<vmem>>) target_semaphore(%run_scoped3A : memref<!tpu.dma_semaphore, #tpu.memory_space<semaphore_mem>>)
      %dma_wait3A_54 = arith.constant 0 : i32
      %dma_wait3A_55 = arith.constant 0 : i32
      %dma_wait3A_56 = tpu.memref_slice %arg4[%add3A, %dma_wait3A_54, %dma_wait3A_55] : memref<32x80x128xi32, #tpu.memory_space<hbm>> -> memref<1x80x128xi32, #tpu.memory_space<hbm>>
      %dma_wait3A_57 = tpu.memref_squeeze %dma_wait3A_56 : memref<1x80x128xi32, #tpu.memory_space<hbm>> -> memref<80x128xi32, #tpu.memory_space<hbm>>
      %dma_wait3A_58 = arith.constant 0 : i32
      %dma_wait3A_59 = arith.constant 0 : i32
      %dma_wait3A_60 = tpu.memref_slice %arg4[%add3A, %dma_wait3A_58, %dma_wait3A_59] : memref<32x80x128xi32, #tpu.memory_space<hbm>> -> memref<1x80x128xi32, #tpu.memory_space<hbm>>
      %dma_wait3A_61 = tpu.memref_squeeze %dma_wait3A_60 : memref<1x80x128xi32, #tpu.memory_space<hbm>> -> memref<80x128xi32, #tpu.memory_space<hbm>>
      tpu.wait_dma2 semaphore(%run_scoped3A : memref<!tpu.dma_semaphore, #tpu.memory_space<semaphore_mem>>) src(%dma_wait3A_61 : memref<80x128xi32, #tpu.memory_space<hbm>>) dst(%arg9 : memref<80x128xi32, #tpu.memory_space<vmem>>)
      tpu.yield
    }) : () -> ()
    "tpu.region"() ({
      %run_scoped3A = tpu.sem_alloc : memref<!tpu.dma_semaphore, #tpu.memory_space<semaphore_mem>>
      %dma_start3A_46 = arith.constant 0 : i32
      %dma_start3A_47 = tpu.memref_slice %arg12[%mul3A_2, %dma_start3A_46] : memref<10112x128xf32, #tpu.memory_space<vmem_shared>> -> memref<632x128xf32, #tpu.memory_space<vmem_shared>>
      %dma_start3A_48 = arith.constant 0 : i32
      %dma_start3A_49 = tpu.memref_slice %arg5[%mul3A_2, %dma_start3A_48] : memref<10112x128xf32, #tpu.memory_space<hbm>> -> memref<632x128xf32, #tpu.memory_space<hbm>>
      tpu.enqueue_dma source(%dma_start3A_49 : memref<632x128xf32, #tpu.memory_space<hbm>>) target(%dma_start3A_47 : memref<632x128xf32, #tpu.memory_space<vmem_shared>>) target_semaphore(%run_scoped3A : memref<!tpu.dma_semaphore, #tpu.memory_space<semaphore_mem>>)
      %dma_wait3A_50 = arith.constant 0 : i32
      %dma_wait3A_51 = tpu.memref_slice %arg12[%mul3A_2, %dma_wait3A_50] : memref<10112x128xf32, #tpu.memory_space<vmem_shared>> -> memref<632x128xf32, #tpu.memory_space<vmem_shared>>
      %dma_wait3A_52 = arith.constant 0 : i32
      %dma_wait3A_53 = tpu.memref_slice %arg5[%mul3A_2, %dma_wait3A_52] : memref<10112x128xf32, #tpu.memory_space<hbm>> -> memref<632x128xf32, #tpu.memory_space<hbm>>
      tpu.wait_dma2 semaphore(%run_scoped3A : memref<!tpu.dma_semaphore, #tpu.memory_space<semaphore_mem>>) src(%dma_wait3A_53 : memref<632x128xf32, #tpu.memory_space<hbm>>) dst(%dma_wait3A_51 : memref<632x128xf32, #tpu.memory_space<vmem_shared>>)
      tpu.yield
    }) : () -> ()
    %barrier3A = arith.constant 0 : index
    tpu.barrier barrier_id(%barrier3A)
    %mul3A_3 = arith.constant 80 : i32
    %mul3A_4 = arith.muli %add3A, %mul3A_3 : i32
    %dma_start3A = arith.constant 0 : i32
    %dma_start3A_5 = arith.constant 0 : i32
    %dma_start3A_6 = tpu.memref_slice %arg3[%mul3A_4, %dma_start3A, %dma_start3A_5] : memref<2560x1x128xi32, #tpu.memory_space<hbm>> -> memref<1x1x128xi32, #tpu.memory_space<hbm>>
    %dma_start3A_7 = tpu.memref_squeeze %dma_start3A_6 : memref<1x1x128xi32, #tpu.memory_space<hbm>> -> memref<1x128xi32, #tpu.memory_space<hbm>>
    %dma_start3A_8 = arith.constant 0 : i32
    %dma_start3A_9 = arith.constant 0 : i32
    %dma_start3A_10 = tpu.memref_slice %arg3[%mul3A_4, %dma_start3A_8, %dma_start3A_9] : memref<2560x1x128xi32, #tpu.memory_space<hbm>> -> memref<1x1x128xi32, #tpu.memory_space<hbm>>
    %dma_start3A_11 = tpu.memref_squeeze %dma_start3A_10 : memref<1x1x128xi32, #tpu.memory_space<hbm>> -> memref<1x128xi32, #tpu.memory_space<hbm>>
    tpu.enqueue_dma source(%dma_start3A_11 : memref<1x128xi32, #tpu.memory_space<hbm>>) target(%arg7 : memref<1x128xi32, #tpu.memory_space<vmem>>) target_semaphore(%arg13 : memref<!tpu.dma_semaphore, #tpu.memory_space<semaphore_mem>>)
    %mul3A_12 = arith.constant 80 : i32
    %mul3A_13 = arith.muli %add3A, %mul3A_12 : i32
    %add3A_14 = arith.constant 1 : i32
    %add3A_15 = arith.addi %mul3A_13, %add3A_14 : i32
    %dma_start3A_16 = arith.constant 0 : i32
    %dma_start3A_17 = arith.constant 0 : i32
    %dma_start3A_18 = tpu.memref_slice %arg3[%add3A_15, %dma_start3A_16, %dma_start3A_17] : memref<2560x1x128xi32, #tpu.memory_space<hbm>> -> memref<1x1x128xi32, #tpu.memory_space<hbm>>
    %dma_start3A_19 = tpu.memref_squeeze %dma_start3A_18 : memref<1x1x128xi32, #tpu.memory_space<hbm>> -> memref<1x128xi32, #tpu.memory_space<hbm>>
    %dma_start3A_20 = arith.constant 0 : i32
    %dma_start3A_21 = arith.constant 0 : i32
    %dma_start3A_22 = tpu.memref_slice %arg3[%add3A_15, %dma_start3A_20, %dma_start3A_21] : memref<2560x1x128xi32, #tpu.memory_space<hbm>> -> memref<1x1x128xi32, #tpu.memory_space<hbm>>
    %dma_start3A_23 = tpu.memref_squeeze %dma_start3A_22 : memref<1x1x128xi32, #tpu.memory_space<hbm>> -> memref<1x128xi32, #tpu.memory_space<hbm>>
    tpu.enqueue_dma source(%dma_start3A_23 : memref<1x128xi32, #tpu.memory_space<hbm>>) target(%arg8 : memref<1x128xi32, #tpu.memory_space<vmem>>) target_semaphore(%arg14 : memref<!tpu.dma_semaphore, #tpu.memory_space<semaphore_mem>>)
    %mul3A_24 = arith.constant 80 : i32
    %mul3A_25 = arith.muli %add3A, %mul3A_24 : i32
    %dma_wait3A = arith.constant 0 : i32
    %dma_wait3A_26 = arith.constant 0 : i32
    %dma_wait3A_27 = tpu.memref_slice %arg3[%mul3A_25, %dma_wait3A, %dma_wait3A_26] : memref<2560x1x128xi32, #tpu.memory_space<hbm>> -> memref<1x1x128xi32, #tpu.memory_space<hbm>>
    %dma_wait3A_28 = tpu.memref_squeeze %dma_wait3A_27 : memref<1x1x128xi32, #tpu.memory_space<hbm>> -> memref<1x128xi32, #tpu.memory_space<hbm>>
    %dma_wait3A_29 = arith.constant 0 : i32
    %dma_wait3A_30 = arith.constant 0 : i32
    %dma_wait3A_31 = tpu.memref_slice %arg3[%mul3A_25, %dma_wait3A_29, %dma_wait3A_30] : memref<2560x1x128xi32, #tpu.memory_space<hbm>> -> memref<1x1x128xi32, #tpu.memory_space<hbm>>
    %dma_wait3A_32 = tpu.memref_squeeze %dma_wait3A_31 : memref<1x1x128xi32, #tpu.memory_space<hbm>> -> memref<1x128xi32, #tpu.memory_space<hbm>>
    tpu.wait_dma2 semaphore(%arg13 : memref<!tpu.dma_semaphore, #tpu.memory_space<semaphore_mem>>) src(%dma_wait3A_32 : memref<1x128xi32, #tpu.memory_space<hbm>>) dst(%arg7 : memref<1x128xi32, #tpu.memory_space<vmem>>)
    %dma_start3A_33 = arith.constant 0 : i32
    %dma_start3A_34 = arith.constant 0 : i32
    %dma_start3A_35 = tpu.memref_slice %arg7[%dma_start3A_33, %dma_start3A_34] : memref<1x128xi32, #tpu.memory_space<vmem>> -> memref<1x128xi32, #tpu.memory_space<vmem>>
    %dma_start3A_36 = tpu.memref_squeeze %dma_start3A_35 : memref<1x128xi32, #tpu.memory_space<vmem>> -> memref<128xi32, #tpu.memory_space<vmem>>
    %dma_start3A_37 = arith.constant 0 : i32
    %dma_start3A_38 = arith.constant 0 : i32
    %dma_start3A_39 = tpu.memref_slice %arg2[%dma_start3A_37, %dma_start3A_38] : memref<10000x128xf32, #tpu.memory_space<hbm>> -> memref<10000x128xf32, #tpu.memory_space<hbm>>
    tpu.enqueue_indirect_dma source(%dma_start3A_39 : memref<10000x128xf32, #tpu.memory_space<hbm>>) target(%arg10 : memref<128x128xf32, #tpu.memory_space<vmem>>) offsets(%dma_start3A_36 : memref<128xi32, #tpu.memory_space<vmem>>) semaphore(%arg15 : memref<!tpu.dma_semaphore, #tpu.memory_space<semaphore_mem>>)
    %scan3A = arith.constant 0 : i32
    %scan3A_40 = arith.constant 0 : i32
    %scan3A_41 = arith.constant 40 : i32
    %scan3A_42 = arith.addi %scan3A_40, %scan3A_41 : i32
    %scan3A_43 = arith.constant 1 : i32
    scf.for %scan3A_46 = %scan3A_40 to %scan3A_42 step %scan3A_43  : i32 {
      %mul3A_47 = arith.constant 2 : i32
      %mul3A_48 = arith.muli %scan3A_46, %mul3A_47 : i32
      %add3A_49 = arith.constant 1 : i32
      %add3A_50 = arith.addi %mul3A_48, %add3A_49 : i32
      %lt3A = arith.constant 80 : i32
      %lt3A_51 = arith.cmpi slt, %add3A_50, %lt3A : i32
      %convert_element_type3A = arith.extui %lt3A_51 : i1 to i32
      %cond3A = arith.constant 0 : i32
      %cond3A_52 = arith.cmpi ne, %convert_element_type3A, %cond3A : i32
      scf.if %cond3A_52 {
        %mul3A_90 = arith.constant 80 : i32
        %mul3A_91 = arith.muli %add3A, %mul3A_90 : i32
        %dma_wait3A_92 = arith.constant 0 : i32
        %dma_wait3A_93 = arith.constant 0 : i32
        %dma_wait3A_94 = tpu.memref_slice %arg3[%mul3A_91, %dma_wait3A_92, %dma_wait3A_93] : memref<2560x1x128xi32, #tpu.memory_space<hbm>> -> memref<1x1x128xi32, #tpu.memory_space<hbm>>
        %dma_wait3A_95 = tpu.memref_squeeze %dma_wait3A_94 : memref<1x1x128xi32, #tpu.memory_space<hbm>> -> memref<1x128xi32, #tpu.memory_space<hbm>>
        %dma_wait3A_96 = arith.constant 0 : i32
        %dma_wait3A_97 = arith.constant 0 : i32
        %dma_wait3A_98 = tpu.memref_slice %arg3[%mul3A_91, %dma_wait3A_96, %dma_wait3A_97] : memref<2560x1x128xi32, #tpu.memory_space<hbm>> -> memref<1x1x128xi32, #tpu.memory_space<hbm>>
        %dma_wait3A_99 = tpu.memref_squeeze %dma_wait3A_98 : memref<1x1x128xi32, #tpu.memory_space<hbm>> -> memref<1x128xi32, #tpu.memory_space<hbm>>
        tpu.wait_dma2 semaphore(%arg14 : memref<!tpu.dma_semaphore, #tpu.memory_space<semaphore_mem>>) src(%dma_wait3A_99 : memref<1x128xi32, #tpu.memory_space<hbm>>) dst(%arg8 : memref<1x128xi32, #tpu.memory_space<vmem>>)
        %dma_start3A_100 = arith.constant 0 : i32
        %dma_start3A_101 = arith.constant 0 : i32
        %dma_start3A_102 = tpu.memref_slice %arg8[%dma_start3A_100, %dma_start3A_101] : memref<1x128xi32, #tpu.memory_space<vmem>> -> memref<1x128xi32, #tpu.memory_space<vmem>>
        %dma_start3A_103 = tpu.memref_squeeze %dma_start3A_102 : memref<1x128xi32, #tpu.memory_space<vmem>> -> memref<128xi32, #tpu.memory_space<vmem>>
        %dma_start3A_104 = arith.constant 0 : i32
        %dma_start3A_105 = arith.constant 0 : i32
        %dma_start3A_106 = tpu.memref_slice %arg2[%dma_start3A_104, %dma_start3A_105] : memref<10000x128xf32, #tpu.memory_space<hbm>> -> memref<10000x128xf32, #tpu.memory_space<hbm>>
        tpu.enqueue_indirect_dma source(%dma_start3A_106 : memref<10000x128xf32, #tpu.memory_space<hbm>>) target(%arg11 : memref<128x128xf32, #tpu.memory_space<vmem>>) offsets(%dma_start3A_103 : memref<128xi32, #tpu.memory_space<vmem>>) semaphore(%arg16 : memref<!tpu.dma_semaphore, #tpu.memory_space<semaphore_mem>>)
      } else {
      }
      %dma_wait3A_53 = arith.constant 0 : i32
      %dma_wait3A_54 = arith.constant 0 : i32
      %dma_wait3A_55 = tpu.memref_slice %arg7[%dma_wait3A_53, %dma_wait3A_54] : memref<1x128xi32, #tpu.memory_space<vmem>> -> memref<1x128xi32, #tpu.memory_space<vmem>>
      %dma_wait3A_56 = tpu.memref_squeeze %dma_wait3A_55 : memref<1x128xi32, #tpu.memory_space<vmem>> -> memref<128xi32, #tpu.memory_space<vmem>>
      %dma_wait3A_57 = arith.constant 0 : i32
      %dma_wait3A_58 = arith.constant 0 : i32
      %dma_wait3A_59 = tpu.memref_slice %arg2[%dma_wait3A_57, %dma_wait3A_58] : memref<10000x128xf32, #tpu.memory_space<hbm>> -> memref<10000x128xf32, #tpu.memory_space<hbm>>
      tpu.wait_indirect_dma semaphore(%arg15 : memref<!tpu.dma_semaphore, #tpu.memory_space<semaphore_mem>>) src(%dma_wait3A_59 : memref<10000x128xf32, #tpu.memory_space<hbm>>) dst(%arg10 : memref<128x128xf32, #tpu.memory_space<vmem>>)
      "tpu.region"() ({
        %run_scoped3A = tpu.sem_alloc : memref<!tpu.dma_semaphore, #tpu.memory_space<semaphore_mem>>
        %dma_start3A_90 = arith.constant 0 : i32
        %dma_start3A_91 = tpu.memref_slice %arg9[%mul3A_48, %dma_start3A_90] : memref<80x128xi32, #tpu.memory_space<vmem>> -> memref<1x128xi32, #tpu.memory_space<vmem>>
        %dma_start3A_92 = tpu.memref_squeeze %dma_start3A_91 : memref<1x128xi32, #tpu.memory_space<vmem>> -> memref<128xi32, #tpu.memory_space<vmem>>
        %dma_start3A_93 = arith.constant 0 : i32
        %dma_start3A_94 = arith.constant 0 : i32
        %dma_start3A_95 = tpu.memref_slice %arg12[%dma_start3A_93, %dma_start3A_94] : memref<10112x128xf32, #tpu.memory_space<vmem_shared>> -> memref<10112x128xf32, #tpu.memory_space<vmem_shared>>
        tpu.enqueue_indirect_dma source(%arg10 : memref<128x128xf32, #tpu.memory_space<vmem>>) target(%dma_start3A_95 : memref<10112x128xf32, #tpu.memory_space<vmem_shared>>) offsets(%dma_start3A_92 : memref<128xi32, #tpu.memory_space<vmem>>) semaphore(%run_scoped3A : memref<!tpu.dma_semaphore, #tpu.memory_space<semaphore_mem>>) {add = true}
        %dma_wait3A_96 = arith.constant 0 : i32
        %dma_wait3A_97 = tpu.memref_slice %arg9[%mul3A_48, %dma_wait3A_96] : memref<80x128xi32, #tpu.memory_space<vmem>> -> memref<1x128xi32, #tpu.memory_space<vmem>>
        %dma_wait3A_98 = tpu.memref_squeeze %dma_wait3A_97 : memref<1x128xi32, #tpu.memory_space<vmem>> -> memref<128xi32, #tpu.memory_space<vmem>>
        %dma_wait3A_99 = arith.constant 0 : i32
        %dma_wait3A_100 = arith.constant 0 : i32
        %dma_wait3A_101 = tpu.memref_slice %arg12[%dma_wait3A_99, %dma_wait3A_100] : memref<10112x128xf32, #tpu.memory_space<vmem_shared>> -> memref<10112x128xf32, #tpu.memory_space<vmem_shared>>
        tpu.wait_indirect_dma semaphore(%run_scoped3A : memref<!tpu.dma_semaphore, #tpu.memory_space<semaphore_mem>>) src(%arg10 : memref<128x128xf32, #tpu.memory_space<vmem>>) dst(%dma_wait3A_101 : memref<10112x128xf32, #tpu.memory_space<vmem_shared>>)
        tpu.yield
      }) : () -> ()
      %add3A_60 = arith.constant 2 : i32
      %add3A_61 = arith.addi %mul3A_48, %add3A_60 : i32
      %lt3A_62 = arith.constant 80 : i32
      %lt3A_63 = arith.cmpi slt, %add3A_61, %lt3A_62 : i32
      %convert_element_type3A_64 = arith.extui %lt3A_63 : i1 to i32
      %cond3A_65 = arith.constant 0 : i32
      %cond3A_66 = arith.cmpi ne, %convert_element_type3A_64, %cond3A_65 : i32
      scf.if %cond3A_66 {
        %mul3A_90 = arith.constant 80 : i32
        %mul3A_91 = arith.muli %add3A, %mul3A_90 : i32
        %add3A_92 = arith.addi %mul3A_91, %mul3A_48 : i32
        %add3A_93 = arith.constant 2 : i32
        %add3A_94 = arith.addi %add3A_92, %add3A_93 : i32
        %dma_start3A_95 = arith.constant 0 : i32
        %dma_start3A_96 = arith.constant 0 : i32
        %dma_start3A_97 = tpu.memref_slice %arg3[%add3A_94, %dma_start3A_95, %dma_start3A_96] : memref<2560x1x128xi32, #tpu.memory_space<hbm>> -> memref<1x1x128xi32, #tpu.memory_space<hbm>>
        %dma_start3A_98 = tpu.memref_squeeze %dma_start3A_97 : memref<1x1x128xi32, #tpu.memory_space<hbm>> -> memref<1x128xi32, #tpu.memory_space<hbm>>
        %dma_start3A_99 = arith.constant 0 : i32
        %dma_start3A_100 = arith.constant 0 : i32
        %dma_start3A_101 = tpu.memref_slice %arg3[%add3A_94, %dma_start3A_99, %dma_start3A_100] : memref<2560x1x128xi32, #tpu.memory_space<hbm>> -> memref<1x1x128xi32, #tpu.memory_space<hbm>>
        %dma_start3A_102 = tpu.memref_squeeze %dma_start3A_101 : memref<1x1x128xi32, #tpu.memory_space<hbm>> -> memref<1x128xi32, #tpu.memory_space<hbm>>
        tpu.enqueue_dma source(%dma_start3A_102 : memref<1x128xi32, #tpu.memory_space<hbm>>) target(%arg7 : memref<1x128xi32, #tpu.memory_space<vmem>>) target_semaphore(%arg13 : memref<!tpu.dma_semaphore, #tpu.memory_space<semaphore_mem>>)
      } else {
      }
      %add3A_67 = arith.constant 1 : i32
      %add3A_68 = arith.addi %mul3A_48, %add3A_67 : i32
      %add3A_69 = arith.constant 1 : i32
      %add3A_70 = arith.addi %add3A_68, %add3A_69 : i32
      %lt3A_71 = arith.constant 80 : i32
      %lt3A_72 = arith.cmpi slt, %add3A_70, %lt3A_71 : i32
      %convert_element_type3A_73 = arith.extui %lt3A_72 : i1 to i32
      %cond3A_74 = arith.constant 0 : i32
      %cond3A_75 = arith.cmpi ne, %convert_element_type3A_73, %cond3A_74 : i32
      scf.if %cond3A_75 {
        %mul3A_90 = arith.constant 80 : i32
        %mul3A_91 = arith.muli %add3A, %mul3A_90 : i32
        %dma_wait3A_92 = arith.constant 0 : i32
        %dma_wait3A_93 = arith.constant 0 : i32
        %dma_wait3A_94 = tpu.memref_slice %arg3[%mul3A_91, %dma_wait3A_92, %dma_wait3A_93] : memref<2560x1x128xi32, #tpu.memory_space<hbm>> -> memref<1x1x128xi32, #tpu.memory_space<hbm>>
        %dma_wait3A_95 = tpu.memref_squeeze %dma_wait3A_94 : memref<1x1x128xi32, #tpu.memory_space<hbm>> -> memref<1x128xi32, #tpu.memory_space<hbm>>
        %dma_wait3A_96 = arith.constant 0 : i32
        %dma_wait3A_97 = arith.constant 0 : i32
        %dma_wait3A_98 = tpu.memref_slice %arg3[%mul3A_91, %dma_wait3A_96, %dma_wait3A_97] : memref<2560x1x128xi32, #tpu.memory_space<hbm>> -> memref<1x1x128xi32, #tpu.memory_space<hbm>>
        %dma_wait3A_99 = tpu.memref_squeeze %dma_wait3A_98 : memref<1x1x128xi32, #tpu.memory_space<hbm>> -> memref<1x128xi32, #tpu.memory_space<hbm>>
        tpu.wait_dma2 semaphore(%arg13 : memref<!tpu.dma_semaphore, #tpu.memory_space<semaphore_mem>>) src(%dma_wait3A_99 : memref<1x128xi32, #tpu.memory_space<hbm>>) dst(%arg7 : memref<1x128xi32, #tpu.memory_space<vmem>>)
        %dma_start3A_100 = arith.constant 0 : i32
        %dma_start3A_101 = arith.constant 0 : i32
        %dma_start3A_102 = tpu.memref_slice %arg7[%dma_start3A_100, %dma_start3A_101] : memref<1x128xi32, #tpu.memory_space<vmem>> -> memref<1x128xi32, #tpu.memory_space<vmem>>
        %dma_start3A_103 = tpu.memref_squeeze %dma_start3A_102 : memref<1x128xi32, #tpu.memory_space<vmem>> -> memref<128xi32, #tpu.memory_space<vmem>>
        %dma_start3A_104 = arith.constant 0 : i32
        %dma_start3A_105 = arith.constant 0 : i32
        %dma_start3A_106 = tpu.memref_slice %arg2[%dma_start3A_104, %dma_start3A_105] : memref<10000x128xf32, #tpu.memory_space<hbm>> -> memref<10000x128xf32, #tpu.memory_space<hbm>>
        tpu.enqueue_indirect_dma source(%dma_start3A_106 : memref<10000x128xf32, #tpu.memory_space<hbm>>) target(%arg10 : memref<128x128xf32, #tpu.memory_space<vmem>>) offsets(%dma_start3A_103 : memref<128xi32, #tpu.memory_space<vmem>>) semaphore(%arg15 : memref<!tpu.dma_semaphore, #tpu.memory_space<semaphore_mem>>)
      } else {
      }
      %dma_wait3A_76 = arith.constant 0 : i32
      %dma_wait3A_77 = arith.constant 0 : i32
      %dma_wait3A_78 = tpu.memref_slice %arg8[%dma_wait3A_76, %dma_wait3A_77] : memref<1x128xi32, #tpu.memory_space<vmem>> -> memref<1x128xi32, #tpu.memory_space<vmem>>
      %dma_wait3A_79 = tpu.memref_squeeze %dma_wait3A_78 : memref<1x128xi32, #tpu.memory_space<vmem>> -> memref<128xi32, #tpu.memory_space<vmem>>
      %dma_wait3A_80 = arith.constant 0 : i32
      %dma_wait3A_81 = arith.constant 0 : i32
      %dma_wait3A_82 = tpu.memref_slice %arg2[%dma_wait3A_80, %dma_wait3A_81] : memref<10000x128xf32, #tpu.memory_space<hbm>> -> memref<10000x128xf32, #tpu.memory_space<hbm>>
      tpu.wait_indirect_dma semaphore(%arg16 : memref<!tpu.dma_semaphore, #tpu.memory_space<semaphore_mem>>) src(%dma_wait3A_82 : memref<10000x128xf32, #tpu.memory_space<hbm>>) dst(%arg11 : memref<128x128xf32, #tpu.memory_space<vmem>>)
      "tpu.region"() ({
        %run_scoped3A = tpu.sem_alloc : memref<!tpu.dma_semaphore, #tpu.memory_space<semaphore_mem>>
        %dma_start3A_90 = arith.constant 0 : i32
        %dma_start3A_91 = tpu.memref_slice %arg9[%add3A_68, %dma_start3A_90] : memref<80x128xi32, #tpu.memory_space<vmem>> -> memref<1x128xi32, #tpu.memory_space<vmem>>
        %dma_start3A_92 = tpu.memref_squeeze %dma_start3A_91 : memref<1x128xi32, #tpu.memory_space<vmem>> -> memref<128xi32, #tpu.memory_space<vmem>>
        %dma_start3A_93 = arith.constant 0 : i32
        %dma_start3A_94 = arith.constant 0 : i32
        %dma_start3A_95 = tpu.memref_slice %arg12[%dma_start3A_93, %dma_start3A_94] : memref<10112x128xf32, #tpu.memory_space<vmem_shared>> -> memref<10112x128xf32, #tpu.memory_space<vmem_shared>>
        tpu.enqueue_indirect_dma source(%arg11 : memref<128x128xf32, #tpu.memory_space<vmem>>) target(%dma_start3A_95 : memref<10112x128xf32, #tpu.memory_space<vmem_shared>>) offsets(%dma_start3A_92 : memref<128xi32, #tpu.memory_space<vmem>>) semaphore(%run_scoped3A : memref<!tpu.dma_semaphore, #tpu.memory_space<semaphore_mem>>) {add = true}
        %dma_wait3A_96 = arith.constant 0 : i32
        %dma_wait3A_97 = tpu.memref_slice %arg9[%add3A_68, %dma_wait3A_96] : memref<80x128xi32, #tpu.memory_space<vmem>> -> memref<1x128xi32, #tpu.memory_space<vmem>>
        %dma_wait3A_98 = tpu.memref_squeeze %dma_wait3A_97 : memref<1x128xi32, #tpu.memory_space<vmem>> -> memref<128xi32, #tpu.memory_space<vmem>>
        %dma_wait3A_99 = arith.constant 0 : i32
        %dma_wait3A_100 = arith.constant 0 : i32
        %dma_wait3A_101 = tpu.memref_slice %arg12[%dma_wait3A_99, %dma_wait3A_100] : memref<10112x128xf32, #tpu.memory_space<vmem_shared>> -> memref<10112x128xf32, #tpu.memory_space<vmem_shared>>
        tpu.wait_indirect_dma semaphore(%run_scoped3A : memref<!tpu.dma_semaphore, #tpu.memory_space<semaphore_mem>>) src(%arg11 : memref<128x128xf32, #tpu.memory_space<vmem>>) dst(%dma_wait3A_101 : memref<10112x128xf32, #tpu.memory_space<vmem_shared>>)
        tpu.yield
      }) : () -> ()
      %add3A_83 = arith.constant 2 : i32
      %add3A_84 = arith.addi %add3A_68, %add3A_83 : i32
      %lt3A_85 = arith.constant 80 : i32
      %lt3A_86 = arith.cmpi slt, %add3A_84, %lt3A_85 : i32
      %convert_element_type3A_87 = arith.extui %lt3A_86 : i1 to i32
      %cond3A_88 = arith.constant 0 : i32
      %cond3A_89 = arith.cmpi ne, %convert_element_type3A_87, %cond3A_88 : i32
      scf.if %cond3A_89 {
        %mul3A_90 = arith.constant 80 : i32
        %mul3A_91 = arith.muli %add3A, %mul3A_90 : i32
        %add3A_92 = arith.addi %mul3A_91, %add3A_68 : i32
        %add3A_93 = arith.constant 2 : i32
        %add3A_94 = arith.addi %add3A_92, %add3A_93 : i32
        %dma_start3A_95 = arith.constant 0 : i32
        %dma_start3A_96 = arith.constant 0 : i32
        %dma_start3A_97 = tpu.memref_slice %arg3[%add3A_94, %dma_start3A_95, %dma_start3A_96] : memref<2560x1x128xi32, #tpu.memory_space<hbm>> -> memref<1x1x128xi32, #tpu.memory_space<hbm>>
        %dma_start3A_98 = tpu.memref_squeeze %dma_start3A_97 : memref<1x1x128xi32, #tpu.memory_space<hbm>> -> memref<1x128xi32, #tpu.memory_space<hbm>>
        %dma_start3A_99 = arith.constant 0 : i32
        %dma_start3A_100 = arith.constant 0 : i32
        %dma_start3A_101 = tpu.memref_slice %arg3[%add3A_94, %dma_start3A_99, %dma_start3A_100] : memref<2560x1x128xi32, #tpu.memory_space<hbm>> -> memref<1x1x128xi32, #tpu.memory_space<hbm>>
        %dma_start3A_102 = tpu.memref_squeeze %dma_start3A_101 : memref<1x1x128xi32, #tpu.memory_space<hbm>> -> memref<1x128xi32, #tpu.memory_space<hbm>>
        tpu.enqueue_dma source(%dma_start3A_102 : memref<1x128xi32, #tpu.memory_space<hbm>>) target(%arg8 : memref<1x128xi32, #tpu.memory_space<vmem>>) target_semaphore(%arg14 : memref<!tpu.dma_semaphore, #tpu.memory_space<semaphore_mem>>)
      } else {
      }
    }
    %scan3A_44 = arith.constant 40 : i32
    %barrier3A_45 = arith.constant 0 : index
    tpu.barrier barrier_id(%barrier3A_45)
    "tpu.region"() ({
      %run_scoped3A = tpu.sem_alloc : memref<!tpu.dma_semaphore, #tpu.memory_space<semaphore_mem>>
      %dma_start3A_46 = arith.constant 0 : i32
      %dma_start3A_47 = tpu.memref_slice %arg6[%arg0, %mul3A_2, %dma_start3A_46] : memref<2x10112x128xf32, #tpu.memory_space<hbm>> -> memref<1x632x128xf32, #tpu.memory_space<hbm>>
      %dma_start3A_48 = tpu.memref_squeeze %dma_start3A_47 : memref<1x632x128xf32, #tpu.memory_space<hbm>> -> memref<632x128xf32, #tpu.memory_space<hbm>>
      %dma_start3A_49 = arith.constant 0 : i32
      %dma_start3A_50 = tpu.memref_slice %arg12[%mul3A_2, %dma_start3A_49] : memref<10112x128xf32, #tpu.memory_space<vmem_shared>> -> memref<632x128xf32, #tpu.memory_space<vmem_shared>>
      tpu.enqueue_dma source(%dma_start3A_50 : memref<632x128xf32, #tpu.memory_space<vmem_shared>>) target(%dma_start3A_48 : memref<632x128xf32, #tpu.memory_space<hbm>>) target_semaphore(%run_scoped3A : memref<!tpu.dma_semaphore, #tpu.memory_space<semaphore_mem>>)
      %dma_wait3A_51 = arith.constant 0 : i32
      %dma_wait3A_52 = tpu.memref_slice %arg6[%arg0, %mul3A_2, %dma_wait3A_51] : memref<2x10112x128xf32, #tpu.memory_space<hbm>> -> memref<1x632x128xf32, #tpu.memory_space<hbm>>
      %dma_wait3A_53 = tpu.memref_squeeze %dma_wait3A_52 : memref<1x632x128xf32, #tpu.memory_space<hbm>> -> memref<632x128xf32, #tpu.memory_space<hbm>>
      %dma_wait3A_54 = arith.constant 0 : i32
      %dma_wait3A_55 = tpu.memref_slice %arg12[%mul3A_2, %dma_wait3A_54] : memref<10112x128xf32, #tpu.memory_space<vmem_shared>> -> memref<632x128xf32, #tpu.memory_space<vmem_shared>>
      tpu.wait_dma2 semaphore(%run_scoped3A : memref<!tpu.dma_semaphore, #tpu.memory_space<semaphore_mem>>) src(%dma_wait3A_55 : memref<632x128xf32, #tpu.memory_space<vmem_shared>>) dst(%dma_wait3A_53 : memref<632x128xf32, #tpu.memory_space<hbm>>)
      tpu.yield
    }) : () -> ()
    return
  }
}

#map = affine_map<(d0, d1) -> (0, 0, 0)>
#map1 = affine_map<(d0, d1) -> (0, 0)>
module attributes {stable_mosaic.version = 14 : i64} {
  func.func @k(%arg0: i32, %arg1: i32, %arg2: memref<32x80x128xi32, #tpu.memory_space<hbm>>, %arg3: memref<128x128xf32, #tpu.memory_space<hbm>>, %arg4: memref<10112x128xf32, #tpu.memory_space<hbm>>, %arg5: memref<2x10112x128xf32, #tpu.memory_space<hbm>>, %arg6: memref<80x128xi32, #tpu.memory_space<vmem>>, %arg7: memref<128x128xf32, #tpu.memory_space<vmem>>, %arg8: memref<10112x128xf32, #tpu.memory_space<vmem_shared>>, %arg9: memref<!tpu.dma_semaphore, #tpu.memory_space<semaphore_mem>>) attributes {dimension_semantics = [#tpu.dimension_semantics<core_parallel>, #tpu.dimension_semantics<subcore_parallel>], iteration_bounds = array<i64: 2, 16>, scalar_prefetch = 0 : i64, scratch_operands = 4 : i64, tpu.core_type = #tpu.core_type<sc_vector_subcore>, window_params = [{transform_indices = #map}, {transform_indices = #map1}, {transform_indices = #map1}, {transform_indices = #map}]} {
    %mul3A = arith.constant 16 : i32
    %mul3A_0 = arith.muli %arg0, %mul3A : i32
    %add3A = arith.addi %mul3A_0, %arg1 : i32
    %mul3A_1 = arith.constant 632 : i32
    %mul3A_2 = arith.muli %arg1, %mul3A_1 : i32
    "tpu.region"() ({
      %run_scoped3A = tpu.sem_alloc : memref<!tpu.dma_semaphore, #tpu.memory_space<semaphore_mem>>
      %dma_start3A = arith.constant 0 : i32
      %dma_start3A_15 = arith.constant 0 : i32
      %dma_start3A_16 = tpu.memref_slice %arg2[%add3A, %dma_start3A, %dma_start3A_15] : memref<32x80x128xi32, #tpu.memory_space<hbm>> -> memref<1x80x128xi32, #tpu.memory_space<hbm>>
      %dma_start3A_17 = tpu.memref_squeeze %dma_start3A_16 : memref<1x80x128xi32, #tpu.memory_space<hbm>> -> memref<80x128xi32, #tpu.memory_space<hbm>>
      %dma_start3A_18 = arith.constant 0 : i32
      %dma_start3A_19 = arith.constant 0 : i32
      %dma_start3A_20 = tpu.memref_slice %arg2[%add3A, %dma_start3A_18, %dma_start3A_19] : memref<32x80x128xi32, #tpu.memory_space<hbm>> -> memref<1x80x128xi32, #tpu.memory_space<hbm>>
      %dma_start3A_21 = tpu.memref_squeeze %dma_start3A_20 : memref<1x80x128xi32, #tpu.memory_space<hbm>> -> memref<80x128xi32, #tpu.memory_space<hbm>>
      tpu.enqueue_dma source(%dma_start3A_21 : memref<80x128xi32, #tpu.memory_space<hbm>>) target(%arg6 : memref<80x128xi32, #tpu.memory_space<vmem>>) target_semaphore(%run_scoped3A : memref<!tpu.dma_semaphore, #tpu.memory_space<semaphore_mem>>)
      %dma_wait3A = arith.constant 0 : i32
      %dma_wait3A_22 = arith.constant 0 : i32
      %dma_wait3A_23 = tpu.memref_slice %arg2[%add3A, %dma_wait3A, %dma_wait3A_22] : memref<32x80x128xi32, #tpu.memory_space<hbm>> -> memref<1x80x128xi32, #tpu.memory_space<hbm>>
      %dma_wait3A_24 = tpu.memref_squeeze %dma_wait3A_23 : memref<1x80x128xi32, #tpu.memory_space<hbm>> -> memref<80x128xi32, #tpu.memory_space<hbm>>
      %dma_wait3A_25 = arith.constant 0 : i32
      %dma_wait3A_26 = arith.constant 0 : i32
      %dma_wait3A_27 = tpu.memref_slice %arg2[%add3A, %dma_wait3A_25, %dma_wait3A_26] : memref<32x80x128xi32, #tpu.memory_space<hbm>> -> memref<1x80x128xi32, #tpu.memory_space<hbm>>
      %dma_wait3A_28 = tpu.memref_squeeze %dma_wait3A_27 : memref<1x80x128xi32, #tpu.memory_space<hbm>> -> memref<80x128xi32, #tpu.memory_space<hbm>>
      tpu.wait_dma2 semaphore(%run_scoped3A : memref<!tpu.dma_semaphore, #tpu.memory_space<semaphore_mem>>) src(%dma_wait3A_28 : memref<80x128xi32, #tpu.memory_space<hbm>>) dst(%arg6 : memref<80x128xi32, #tpu.memory_space<vmem>>)
      tpu.yield
    }) : () -> ()
    "tpu.region"() ({
      %run_scoped3A = tpu.sem_alloc : memref<!tpu.dma_semaphore, #tpu.memory_space<semaphore_mem>>
      tpu.enqueue_dma source(%arg3 : memref<128x128xf32, #tpu.memory_space<hbm>>) target(%arg7 : memref<128x128xf32, #tpu.memory_space<vmem>>) target_semaphore(%run_scoped3A : memref<!tpu.dma_semaphore, #tpu.memory_space<semaphore_mem>>)
      tpu.wait_dma2 semaphore(%run_scoped3A : memref<!tpu.dma_semaphore, #tpu.memory_space<semaphore_mem>>) src(%arg3 : memref<128x128xf32, #tpu.memory_space<hbm>>) dst(%arg7 : memref<128x128xf32, #tpu.memory_space<vmem>>)
      tpu.yield
    }) : () -> ()
    "tpu.region"() ({
      %run_scoped3A = tpu.sem_alloc : memref<!tpu.dma_semaphore, #tpu.memory_space<semaphore_mem>>
      %dma_start3A = arith.constant 0 : i32
      %dma_start3A_15 = tpu.memref_slice %arg8[%mul3A_2, %dma_start3A] : memref<10112x128xf32, #tpu.memory_space<vmem_shared>> -> memref<632x128xf32, #tpu.memory_space<vmem_shared>>
      %dma_start3A_16 = arith.constant 0 : i32
      %dma_start3A_17 = tpu.memref_slice %arg4[%mul3A_2, %dma_start3A_16] : memref<10112x128xf32, #tpu.memory_space<hbm>> -> memref<632x128xf32, #tpu.memory_space<hbm>>
      tpu.enqueue_dma source(%dma_start3A_17 : memref<632x128xf32, #tpu.memory_space<hbm>>) target(%dma_start3A_15 : memref<632x128xf32, #tpu.memory_space<vmem_shared>>) target_semaphore(%run_scoped3A : memref<!tpu.dma_semaphore, #tpu.memory_space<semaphore_mem>>)
      %dma_wait3A = arith.constant 0 : i32
      %dma_wait3A_18 = tpu.memref_slice %arg8[%mul3A_2, %dma_wait3A] : memref<10112x128xf32, #tpu.memory_space<vmem_shared>> -> memref<632x128xf32, #tpu.memory_space<vmem_shared>>
      %dma_wait3A_19 = arith.constant 0 : i32
      %dma_wait3A_20 = tpu.memref_slice %arg4[%mul3A_2, %dma_wait3A_19] : memref<10112x128xf32, #tpu.memory_space<hbm>> -> memref<632x128xf32, #tpu.memory_space<hbm>>
      tpu.wait_dma2 semaphore(%run_scoped3A : memref<!tpu.dma_semaphore, #tpu.memory_space<semaphore_mem>>) src(%dma_wait3A_20 : memref<632x128xf32, #tpu.memory_space<hbm>>) dst(%dma_wait3A_18 : memref<632x128xf32, #tpu.memory_space<vmem_shared>>)
      tpu.yield
    }) : () -> ()
    %barrier3A = arith.constant 0 : index
    tpu.barrier barrier_id(%barrier3A)
    %scan3A = arith.constant 0 : i32
    %scan3A_3 = arith.constant 0 : i32
    %scan3A_4 = arith.constant 80 : i32
    %scan3A_5 = arith.addi %scan3A_3, %scan3A_4 : i32
    %scan3A_6 = arith.constant 1 : i32
    scf.for %scan3A_15 = %scan3A_3 to %scan3A_5 step %scan3A_6  : i32 {
      %dma_start3A = arith.constant 0 : i32
      %dma_start3A_16 = tpu.memref_slice %arg6[%scan3A_15, %dma_start3A] : memref<80x128xi32, #tpu.memory_space<vmem>> -> memref<1x128xi32, #tpu.memory_space<vmem>>
      %dma_start3A_17 = tpu.memref_squeeze %dma_start3A_16 : memref<1x128xi32, #tpu.memory_space<vmem>> -> memref<128xi32, #tpu.memory_space<vmem>>
      %dma_start3A_18 = arith.constant 0 : i32
      %dma_start3A_19 = arith.constant 0 : i32
      %dma_start3A_20 = tpu.memref_slice %arg8[%dma_start3A_18, %dma_start3A_19] : memref<10112x128xf32, #tpu.memory_space<vmem_shared>> -> memref<10112x128xf32, #tpu.memory_space<vmem_shared>>
      tpu.enqueue_indirect_dma source(%arg7 : memref<128x128xf32, #tpu.memory_space<vmem>>) target(%dma_start3A_20 : memref<10112x128xf32, #tpu.memory_space<vmem_shared>>) offsets(%dma_start3A_17 : memref<128xi32, #tpu.memory_space<vmem>>) semaphore(%arg9 : memref<!tpu.dma_semaphore, #tpu.memory_space<semaphore_mem>>) {add = true}
      %ge3A = arith.constant 8 : i32
      %ge3A_21 = arith.cmpi sge, %scan3A_15, %ge3A : i32
      %convert_element_type3A = arith.extui %ge3A_21 : i1 to i32
      %cond3A = arith.constant 0 : i32
      %cond3A_22 = arith.cmpi ne, %convert_element_type3A, %cond3A : i32
      scf.if %cond3A_22 {
        %dma_wait3A = arith.constant 0 : i32
        %dma_wait3A_23 = arith.constant 0 : i32
        %dma_wait3A_24 = tpu.memref_slice %arg6[%dma_wait3A, %dma_wait3A_23] : memref<80x128xi32, #tpu.memory_space<vmem>> -> memref<1x128xi32, #tpu.memory_space<vmem>>
        %dma_wait3A_25 = tpu.memref_squeeze %dma_wait3A_24 : memref<1x128xi32, #tpu.memory_space<vmem>> -> memref<128xi32, #tpu.memory_space<vmem>>
        %dma_wait3A_26 = arith.constant 0 : i32
        %dma_wait3A_27 = arith.constant 0 : i32
        %dma_wait3A_28 = tpu.memref_slice %arg8[%dma_wait3A_26, %dma_wait3A_27] : memref<10112x128xf32, #tpu.memory_space<vmem_shared>> -> memref<10112x128xf32, #tpu.memory_space<vmem_shared>>
        tpu.wait_indirect_dma semaphore(%arg9 : memref<!tpu.dma_semaphore, #tpu.memory_space<semaphore_mem>>) src(%arg7 : memref<128x128xf32, #tpu.memory_space<vmem>>) dst(%dma_wait3A_28 : memref<10112x128xf32, #tpu.memory_space<vmem_shared>>)
      } else {
      }
    }
    %scan3A_7 = arith.constant 80 : i32
    %scan3A_8 = arith.constant 0 : i32
    %scan3A_9 = arith.constant 0 : i32
    %scan3A_10 = arith.constant 8 : i32
    %scan3A_11 = arith.addi %scan3A_9, %scan3A_10 : i32
    %scan3A_12 = arith.constant 1 : i32
    scf.for %scan3A_15 = %scan3A_9 to %scan3A_11 step %scan3A_12  : i32 {
      %dma_wait3A = arith.constant 0 : i32
      %dma_wait3A_16 = arith.constant 0 : i32
      %dma_wait3A_17 = tpu.memref_slice %arg6[%dma_wait3A, %dma_wait3A_16] : memref<80x128xi32, #tpu.memory_space<vmem>> -> memref<1x128xi32, #tpu.memory_space<vmem>>
      %dma_wait3A_18 = tpu.memref_squeeze %dma_wait3A_17 : memref<1x128xi32, #tpu.memory_space<vmem>> -> memref<128xi32, #tpu.memory_space<vmem>>
      %dma_wait3A_19 = arith.constant 0 : i32
      %dma_wait3A_20 = arith.constant 0 : i32
      %dma_wait3A_21 = tpu.memref_slice %arg8[%dma_wait3A_19, %dma_wait3A_20] : memref<10112x128xf32, #tpu.memory_space<vmem_shared>> -> memref<10112x128xf32, #tpu.memory_space<vmem_shared>>
      tpu.wait_indirect_dma semaphore(%arg9 : memref<!tpu.dma_semaphore, #tpu.memory_space<semaphore_mem>>) src(%arg7 : memref<128x128xf32, #tpu.memory_space<vmem>>) dst(%dma_wait3A_21 : memref<10112x128xf32, #tpu.memory_space<vmem_shared>>)
    }
    %scan3A_13 = arith.constant 8 : i32
    %barrier3A_14 = arith.constant 0 : index
    tpu.barrier barrier_id(%barrier3A_14)
    "tpu.region"() ({
      %run_scoped3A = tpu.sem_alloc : memref<!tpu.dma_semaphore, #tpu.memory_space<semaphore_mem>>
      %dma_start3A = arith.constant 0 : i32
      %dma_start3A_15 = tpu.memref_slice %arg5[%arg0, %mul3A_2, %dma_start3A] : memref<2x10112x128xf32, #tpu.memory_space<hbm>> -> memref<1x632x128xf32, #tpu.memory_space<hbm>>
      %dma_start3A_16 = tpu.memref_squeeze %dma_start3A_15 : memref<1x632x128xf32, #tpu.memory_space<hbm>> -> memref<632x128xf32, #tpu.memory_space<hbm>>
      %dma_start3A_17 = arith.constant 0 : i32
      %dma_start3A_18 = tpu.memref_slice %arg8[%mul3A_2, %dma_start3A_17] : memref<10112x128xf32, #tpu.memory_space<vmem_shared>> -> memref<632x128xf32, #tpu.memory_space<vmem_shared>>
      tpu.enqueue_dma source(%dma_start3A_18 : memref<632x128xf32, #tpu.memory_space<vmem_shared>>) target(%dma_start3A_16 : memref<632x128xf32, #tpu.memory_space<hbm>>) target_semaphore(%run_scoped3A : memref<!tpu.dma_semaphore, #tpu.memory_space<semaphore_mem>>)
      %dma_wait3A = arith.constant 0 : i32
      %dma_wait3A_19 = tpu.memref_slice %arg5[%arg0, %mul3A_2, %dma_wait3A] : memref<2x10112x128xf32, #tpu.memory_space<hbm>> -> memref<1x632x128xf32, #tpu.memory_space<hbm>>
      %dma_wait3A_20 = tpu.memref_squeeze %dma_wait3A_19 : memref<1x632x128xf32, #tpu.memory_space<hbm>> -> memref<632x128xf32, #tpu.memory_space<hbm>>
      %dma_wait3A_21 = arith.constant 0 : i32
      %dma_wait3A_22 = tpu.memref_slice %arg8[%mul3A_2, %dma_wait3A_21] : memref<10112x128xf32, #tpu.memory_space<vmem_shared>> -> memref<632x128xf32, #tpu.memory_space<vmem_shared>>
      tpu.wait_dma2 semaphore(%run_scoped3A : memref<!tpu.dma_semaphore, #tpu.memory_space<semaphore_mem>>) src(%dma_wait3A_22 : memref<632x128xf32, #tpu.memory_space<vmem_shared>>) dst(%dma_wait3A_20 : memref<632x128xf32, #tpu.memory_space<hbm>>)
      tpu.yield
    }) : () -> ()
    return
  }
}

#map = affine_map<(d0, d1) -> (0, 0)>
#map1 = affine_map<(d0, d1) -> (0, 0, 0)>
module attributes {stable_mosaic.version = 14 : i64} {
  func.func @k(%arg0: i32, %arg1: i32, %arg2: memref<10000x128xf32, #tpu.memory_space<hbm>>, %arg3: memref<2560x1x128xi32, #tpu.memory_space<hbm>>, %arg4: memref<32x80x128xi32, #tpu.memory_space<hbm>>, %arg5: memref<10112x128xf32, #tpu.memory_space<hbm>>, %arg6: memref<2x10112x128xf32, #tpu.memory_space<hbm>>, %arg7: memref<1x128xi32, #tpu.memory_space<vmem>>, %arg8: memref<1x128xi32, #tpu.memory_space<vmem>>, %arg9: memref<80x128xi32, #tpu.memory_space<vmem>>, %arg10: memref<128x128xf32, #tpu.memory_space<vmem>>, %arg11: memref<128x128xf32, #tpu.memory_space<vmem>>, %arg12: memref<10112x128xf32, #tpu.memory_space<vmem_shared>>, %arg13: memref<!tpu.dma_semaphore, #tpu.memory_space<semaphore_mem>>, %arg14: memref<!tpu.dma_semaphore, #tpu.memory_space<semaphore_mem>>, %arg15: memref<!tpu.dma_semaphore, #tpu.memory_space<semaphore_mem>>, %arg16: memref<!tpu.dma_semaphore, #tpu.memory_space<semaphore_mem>>) attributes {dimension_semantics = [#tpu.dimension_semantics<core_parallel>, #tpu.dimension_semantics<subcore_parallel>], iteration_bounds = array<i64: 2, 16>, scalar_prefetch = 0 : i64, scratch_operands = 10 : i64, tpu.core_type = #tpu.core_type<sc_vector_subcore>, window_params = [{transform_indices = #map}, {transform_indices = #map1}, {transform_indices = #map1}, {transform_indices = #map}, {transform_indices = #map1}]} {
    %mul3A = arith.constant 16 : i32
    %mul3A_0 = arith.muli %arg0, %mul3A : i32
    %add3A = arith.addi %mul3A_0, %arg1 : i32
    %mul3A_1 = arith.constant 632 : i32
    %mul3A_2 = arith.muli %arg1, %mul3A_1 : i32
    "tpu.region"() ({
      %run_scoped3A = tpu.sem_alloc : memref<!tpu.dma_semaphore, #tpu.memory_space<semaphore_mem>>
      %dma_start3A_46 = arith.constant 0 : i32
      %dma_start3A_47 = arith.constant 0 : i32
      %dma_start3A_48 = tpu.memref_slice %arg4[%add3A, %dma_start3A_46, %dma_start3A_47] : memref<32x80x128xi32, #tpu.memory_space<hbm>> -> memref<1x80x128xi32, #tpu.memory_space<hbm>>
      %dma_start3A_49 = tpu.memref_squeeze %dma_start3A_48 : memref<1x80x128xi32, #tpu.memory_space<hbm>> -> memref<80x128xi32, #tpu.memory_space<hbm>>
      %dma_start3A_50 = arith.constant 0 : i32
      %dma_start3A_51 = arith.constant 0 : i32
      %dma_start3A_52 = tpu.memref_slice %arg4[%add3A, %dma_start3A_50, %dma_start3A_51] : memref<32x80x128xi32, #tpu.memory_space<hbm>> -> memref<1x80x128xi32, #tpu.memory_space<hbm>>
      %dma_start3A_53 = tpu.memref_squeeze %dma_start3A_52 : memref<1x80x128xi32, #tpu.memory_space<hbm>> -> memref<80x128xi32, #tpu.memory_space<hbm>>
      tpu.enqueue_dma source(%dma_start3A_53 : memref<80x128xi32, #tpu.memory_space<hbm>>) target(%arg9 : memref<80x128xi32, #tpu.memory_space<vmem>>) target_semaphore(%run_scoped3A : memref<!tpu.dma_semaphore, #tpu.memory_space<semaphore_mem>>)
      %dma_wait3A_54 = arith.constant 0 : i32
      %dma_wait3A_55 = arith.constant 0 : i32
      %dma_wait3A_56 = tpu.memref_slice %arg4[%add3A, %dma_wait3A_54, %dma_wait3A_55] : memref<32x80x128xi32, #tpu.memory_space<hbm>> -> memref<1x80x128xi32, #tpu.memory_space<hbm>>
      %dma_wait3A_57 = tpu.memref_squeeze %dma_wait3A_56 : memref<1x80x128xi32, #tpu.memory_space<hbm>> -> memref<80x128xi32, #tpu.memory_space<hbm>>
      %dma_wait3A_58 = arith.constant 0 : i32
      %dma_wait3A_59 = arith.constant 0 : i32
      %dma_wait3A_60 = tpu.memref_slice %arg4[%add3A, %dma_wait3A_58, %dma_wait3A_59] : memref<32x80x128xi32, #tpu.memory_space<hbm>> -> memref<1x80x128xi32, #tpu.memory_space<hbm>>
      %dma_wait3A_61 = tpu.memref_squeeze %dma_wait3A_60 : memref<1x80x128xi32, #tpu.memory_space<hbm>> -> memref<80x128xi32, #tpu.memory_space<hbm>>
      tpu.wait_dma2 semaphore(%run_scoped3A : memref<!tpu.dma_semaphore, #tpu.memory_space<semaphore_mem>>) src(%dma_wait3A_61 : memref<80x128xi32, #tpu.memory_space<hbm>>) dst(%arg9 : memref<80x128xi32, #tpu.memory_space<vmem>>)
      tpu.yield
    }) : () -> ()
    "tpu.region"() ({
      %run_scoped3A = tpu.sem_alloc : memref<!tpu.dma_semaphore, #tpu.memory_space<semaphore_mem>>
      %dma_start3A_46 = arith.constant 0 : i32
      %dma_start3A_47 = tpu.memref_slice %arg12[%mul3A_2, %dma_start3A_46] : memref<10112x128xf32, #tpu.memory_space<vmem_shared>> -> memref<632x128xf32, #tpu.memory_space<vmem_shared>>
      %dma_start3A_48 = arith.constant 0 : i32
      %dma_start3A_49 = tpu.memref_slice %arg5[%mul3A_2, %dma_start3A_48] : memref<10112x128xf32, #tpu.memory_space<hbm>> -> memref<632x128xf32, #tpu.memory_space<hbm>>
      tpu.enqueue_dma source(%dma_start3A_49 : memref<632x128xf32, #tpu.memory_space<hbm>>) target(%dma_start3A_47 : memref<632x128xf32, #tpu.memory_space<vmem_shared>>) target_semaphore(%run_scoped3A : memref<!tpu.dma_semaphore, #tpu.memory_space<semaphore_mem>>)
      %dma_wait3A_50 = arith.constant 0 : i32
      %dma_wait3A_51 = tpu.memref_slice %arg12[%mul3A_2, %dma_wait3A_50] : memref<10112x128xf32, #tpu.memory_space<vmem_shared>> -> memref<632x128xf32, #tpu.memory_space<vmem_shared>>
      %dma_wait3A_52 = arith.constant 0 : i32
      %dma_wait3A_53 = tpu.memref_slice %arg5[%mul3A_2, %dma_wait3A_52] : memref<10112x128xf32, #tpu.memory_space<hbm>> -> memref<632x128xf32, #tpu.memory_space<hbm>>
      tpu.wait_dma2 semaphore(%run_scoped3A : memref<!tpu.dma_semaphore, #tpu.memory_space<semaphore_mem>>) src(%dma_wait3A_53 : memref<632x128xf32, #tpu.memory_space<hbm>>) dst(%dma_wait3A_51 : memref<632x128xf32, #tpu.memory_space<vmem_shared>>)
      tpu.yield
    }) : () -> ()
    %barrier3A = arith.constant 0 : index
    tpu.barrier barrier_id(%barrier3A)
    %mul3A_3 = arith.constant 80 : i32
    %mul3A_4 = arith.muli %add3A, %mul3A_3 : i32
    %dma_start3A = arith.constant 0 : i32
    %dma_start3A_5 = arith.constant 0 : i32
    %dma_start3A_6 = tpu.memref_slice %arg3[%mul3A_4, %dma_start3A, %dma_start3A_5] : memref<2560x1x128xi32, #tpu.memory_space<hbm>> -> memref<1x1x128xi32, #tpu.memory_space<hbm>>
    %dma_start3A_7 = tpu.memref_squeeze %dma_start3A_6 : memref<1x1x128xi32, #tpu.memory_space<hbm>> -> memref<1x128xi32, #tpu.memory_space<hbm>>
    %dma_start3A_8 = arith.constant 0 : i32
    %dma_start3A_9 = arith.constant 0 : i32
    %dma_start3A_10 = tpu.memref_slice %arg3[%mul3A_4, %dma_start3A_8, %dma_start3A_9] : memref<2560x1x128xi32, #tpu.memory_space<hbm>> -> memref<1x1x128xi32, #tpu.memory_space<hbm>>
    %dma_start3A_11 = tpu.memref_squeeze %dma_start3A_10 : memref<1x1x128xi32, #tpu.memory_space<hbm>> -> memref<1x128xi32, #tpu.memory_space<hbm>>
    tpu.enqueue_dma source(%dma_start3A_11 : memref<1x128xi32, #tpu.memory_space<hbm>>) target(%arg7 : memref<1x128xi32, #tpu.memory_space<vmem>>) target_semaphore(%arg13 : memref<!tpu.dma_semaphore, #tpu.memory_space<semaphore_mem>>)
    %mul3A_12 = arith.constant 80 : i32
    %mul3A_13 = arith.muli %add3A, %mul3A_12 : i32
    %add3A_14 = arith.constant 1 : i32
    %add3A_15 = arith.addi %mul3A_13, %add3A_14 : i32
    %dma_start3A_16 = arith.constant 0 : i32
    %dma_start3A_17 = arith.constant 0 : i32
    %dma_start3A_18 = tpu.memref_slice %arg3[%add3A_15, %dma_start3A_16, %dma_start3A_17] : memref<2560x1x128xi32, #tpu.memory_space<hbm>> -> memref<1x1x128xi32, #tpu.memory_space<hbm>>
    %dma_start3A_19 = tpu.memref_squeeze %dma_start3A_18 : memref<1x1x128xi32, #tpu.memory_space<hbm>> -> memref<1x128xi32, #tpu.memory_space<hbm>>
    %dma_start3A_20 = arith.constant 0 : i32
    %dma_start3A_21 = arith.constant 0 : i32
    %dma_start3A_22 = tpu.memref_slice %arg3[%add3A_15, %dma_start3A_20, %dma_start3A_21] : memref<2560x1x128xi32, #tpu.memory_space<hbm>> -> memref<1x1x128xi32, #tpu.memory_space<hbm>>
    %dma_start3A_23 = tpu.memref_squeeze %dma_start3A_22 : memref<1x1x128xi32, #tpu.memory_space<hbm>> -> memref<1x128xi32, #tpu.memory_space<hbm>>
    tpu.enqueue_dma source(%dma_start3A_23 : memref<1x128xi32, #tpu.memory_space<hbm>>) target(%arg8 : memref<1x128xi32, #tpu.memory_space<vmem>>) target_semaphore(%arg14 : memref<!tpu.dma_semaphore, #tpu.memory_space<semaphore_mem>>)
    %mul3A_24 = arith.constant 80 : i32
    %mul3A_25 = arith.muli %add3A, %mul3A_24 : i32
    %dma_wait3A = arith.constant 0 : i32
    %dma_wait3A_26 = arith.constant 0 : i32
    %dma_wait3A_27 = tpu.memref_slice %arg3[%mul3A_25, %dma_wait3A, %dma_wait3A_26] : memref<2560x1x128xi32, #tpu.memory_space<hbm>> -> memref<1x1x128xi32, #tpu.memory_space<hbm>>
    %dma_wait3A_28 = tpu.memref_squeeze %dma_wait3A_27 : memref<1x1x128xi32, #tpu.memory_space<hbm>> -> memref<1x128xi32, #tpu.memory_space<hbm>>
    %dma_wait3A_29 = arith.constant 0 : i32
    %dma_wait3A_30 = arith.constant 0 : i32
    %dma_wait3A_31 = tpu.memref_slice %arg3[%mul3A_25, %dma_wait3A_29, %dma_wait3A_30] : memref<2560x1x128xi32, #tpu.memory_space<hbm>> -> memref<1x1x128xi32, #tpu.memory_space<hbm>>
    %dma_wait3A_32 = tpu.memref_squeeze %dma_wait3A_31 : memref<1x1x128xi32, #tpu.memory_space<hbm>> -> memref<1x128xi32, #tpu.memory_space<hbm>>
    tpu.wait_dma2 semaphore(%arg13 : memref<!tpu.dma_semaphore, #tpu.memory_space<semaphore_mem>>) src(%dma_wait3A_32 : memref<1x128xi32, #tpu.memory_space<hbm>>) dst(%arg7 : memref<1x128xi32, #tpu.memory_space<vmem>>)
    %dma_start3A_33 = arith.constant 0 : i32
    %dma_start3A_34 = arith.constant 0 : i32
    %dma_start3A_35 = tpu.memref_slice %arg7[%dma_start3A_33, %dma_start3A_34] : memref<1x128xi32, #tpu.memory_space<vmem>> -> memref<1x128xi32, #tpu.memory_space<vmem>>
    %dma_start3A_36 = tpu.memref_squeeze %dma_start3A_35 : memref<1x128xi32, #tpu.memory_space<vmem>> -> memref<128xi32, #tpu.memory_space<vmem>>
    %dma_start3A_37 = arith.constant 0 : i32
    %dma_start3A_38 = arith.constant 0 : i32
    %dma_start3A_39 = tpu.memref_slice %arg2[%dma_start3A_37, %dma_start3A_38] : memref<10000x128xf32, #tpu.memory_space<hbm>> -> memref<10000x128xf32, #tpu.memory_space<hbm>>
    tpu.enqueue_indirect_dma source(%dma_start3A_39 : memref<10000x128xf32, #tpu.memory_space<hbm>>) target(%arg10 : memref<128x128xf32, #tpu.memory_space<vmem>>) offsets(%dma_start3A_36 : memref<128xi32, #tpu.memory_space<vmem>>) semaphore(%arg15 : memref<!tpu.dma_semaphore, #tpu.memory_space<semaphore_mem>>)
    %scan3A = arith.constant 0 : i32
    %scan3A_40 = arith.constant 0 : i32
    %scan3A_41 = arith.constant 40 : i32
    %scan3A_42 = arith.addi %scan3A_40, %scan3A_41 : i32
    %scan3A_43 = arith.constant 1 : i32
    scf.for %scan3A_46 = %scan3A_40 to %scan3A_42 step %scan3A_43  : i32 {
      %mul3A_47 = arith.constant 2 : i32
      %mul3A_48 = arith.muli %scan3A_46, %mul3A_47 : i32
      %add3A_49 = arith.constant 1 : i32
      %add3A_50 = arith.addi %mul3A_48, %add3A_49 : i32
      %lt3A = arith.constant 80 : i32
      %lt3A_51 = arith.cmpi slt, %add3A_50, %lt3A : i32
      %convert_element_type3A = arith.extui %lt3A_51 : i1 to i32
      %cond3A = arith.constant 0 : i32
      %cond3A_52 = arith.cmpi ne, %convert_element_type3A, %cond3A : i32
      scf.if %cond3A_52 {
        %mul3A_90 = arith.constant 80 : i32
        %mul3A_91 = arith.muli %add3A, %mul3A_90 : i32
        %dma_wait3A_92 = arith.constant 0 : i32
        %dma_wait3A_93 = arith.constant 0 : i32
        %dma_wait3A_94 = tpu.memref_slice %arg3[%mul3A_91, %dma_wait3A_92, %dma_wait3A_93] : memref<2560x1x128xi32, #tpu.memory_space<hbm>> -> memref<1x1x128xi32, #tpu.memory_space<hbm>>
        %dma_wait3A_95 = tpu.memref_squeeze %dma_wait3A_94 : memref<1x1x128xi32, #tpu.memory_space<hbm>> -> memref<1x128xi32, #tpu.memory_space<hbm>>
        %dma_wait3A_96 = arith.constant 0 : i32
        %dma_wait3A_97 = arith.constant 0 : i32
        %dma_wait3A_98 = tpu.memref_slice %arg3[%mul3A_91, %dma_wait3A_96, %dma_wait3A_97] : memref<2560x1x128xi32, #tpu.memory_space<hbm>> -> memref<1x1x128xi32, #tpu.memory_space<hbm>>
        %dma_wait3A_99 = tpu.memref_squeeze %dma_wait3A_98 : memref<1x1x128xi32, #tpu.memory_space<hbm>> -> memref<1x128xi32, #tpu.memory_space<hbm>>
        tpu.wait_dma2 semaphore(%arg14 : memref<!tpu.dma_semaphore, #tpu.memory_space<semaphore_mem>>) src(%dma_wait3A_99 : memref<1x128xi32, #tpu.memory_space<hbm>>) dst(%arg8 : memref<1x128xi32, #tpu.memory_space<vmem>>)
        %dma_start3A_100 = arith.constant 0 : i32
        %dma_start3A_101 = arith.constant 0 : i32
        %dma_start3A_102 = tpu.memref_slice %arg8[%dma_start3A_100, %dma_start3A_101] : memref<1x128xi32, #tpu.memory_space<vmem>> -> memref<1x128xi32, #tpu.memory_space<vmem>>
        %dma_start3A_103 = tpu.memref_squeeze %dma_start3A_102 : memref<1x128xi32, #tpu.memory_space<vmem>> -> memref<128xi32, #tpu.memory_space<vmem>>
        %dma_start3A_104 = arith.constant 0 : i32
        %dma_start3A_105 = arith.constant 0 : i32
        %dma_start3A_106 = tpu.memref_slice %arg2[%dma_start3A_104, %dma_start3A_105] : memref<10000x128xf32, #tpu.memory_space<hbm>> -> memref<10000x128xf32, #tpu.memory_space<hbm>>
        tpu.enqueue_indirect_dma source(%dma_start3A_106 : memref<10000x128xf32, #tpu.memory_space<hbm>>) target(%arg11 : memref<128x128xf32, #tpu.memory_space<vmem>>) offsets(%dma_start3A_103 : memref<128xi32, #tpu.memory_space<vmem>>) semaphore(%arg16 : memref<!tpu.dma_semaphore, #tpu.memory_space<semaphore_mem>>)
      } else {
      }
      %dma_wait3A_53 = arith.constant 0 : i32
      %dma_wait3A_54 = arith.constant 0 : i32
      %dma_wait3A_55 = tpu.memref_slice %arg7[%dma_wait3A_53, %dma_wait3A_54] : memref<1x128xi32, #tpu.memory_space<vmem>> -> memref<1x128xi32, #tpu.memory_space<vmem>>
      %dma_wait3A_56 = tpu.memref_squeeze %dma_wait3A_55 : memref<1x128xi32, #tpu.memory_space<vmem>> -> memref<128xi32, #tpu.memory_space<vmem>>
      %dma_wait3A_57 = arith.constant 0 : i32
      %dma_wait3A_58 = arith.constant 0 : i32
      %dma_wait3A_59 = tpu.memref_slice %arg2[%dma_wait3A_57, %dma_wait3A_58] : memref<10000x128xf32, #tpu.memory_space<hbm>> -> memref<10000x128xf32, #tpu.memory_space<hbm>>
      tpu.wait_indirect_dma semaphore(%arg15 : memref<!tpu.dma_semaphore, #tpu.memory_space<semaphore_mem>>) src(%dma_wait3A_59 : memref<10000x128xf32, #tpu.memory_space<hbm>>) dst(%arg10 : memref<128x128xf32, #tpu.memory_space<vmem>>)
      "tpu.region"() ({
        %run_scoped3A = tpu.sem_alloc : memref<!tpu.dma_semaphore, #tpu.memory_space<semaphore_mem>>
        %dma_start3A_90 = arith.constant 0 : i32
        %dma_start3A_91 = tpu.memref_slice %arg9[%mul3A_48, %dma_start3A_90] : memref<80x128xi32, #tpu.memory_space<vmem>> -> memref<1x128xi32, #tpu.memory_space<vmem>>
        %dma_start3A_92 = tpu.memref_squeeze %dma_start3A_91 : memref<1x128xi32, #tpu.memory_space<vmem>> -> memref<128xi32, #tpu.memory_space<vmem>>
        %dma_start3A_93 = arith.constant 0 : i32
        %dma_start3A_94 = arith.constant 0 : i32
        %dma_start3A_95 = tpu.memref_slice %arg12[%dma_start3A_93, %dma_start3A_94] : memref<10112x128xf32, #tpu.memory_space<vmem_shared>> -> memref<10112x128xf32, #tpu.memory_space<vmem_shared>>
        tpu.enqueue_indirect_dma source(%arg10 : memref<128x128xf32, #tpu.memory_space<vmem>>) target(%dma_start3A_95 : memref<10112x128xf32, #tpu.memory_space<vmem_shared>>) offsets(%dma_start3A_92 : memref<128xi32, #tpu.memory_space<vmem>>) semaphore(%run_scoped3A : memref<!tpu.dma_semaphore, #tpu.memory_space<semaphore_mem>>) {add = true}
        %dma_wait3A_96 = arith.constant 0 : i32
        %dma_wait3A_97 = tpu.memref_slice %arg9[%mul3A_48, %dma_wait3A_96] : memref<80x128xi32, #tpu.memory_space<vmem>> -> memref<1x128xi32, #tpu.memory_space<vmem>>
        %dma_wait3A_98 = tpu.memref_squeeze %dma_wait3A_97 : memref<1x128xi32, #tpu.memory_space<vmem>> -> memref<128xi32, #tpu.memory_space<vmem>>
        %dma_wait3A_99 = arith.constant 0 : i32
        %dma_wait3A_100 = arith.constant 0 : i32
        %dma_wait3A_101 = tpu.memref_slice %arg12[%dma_wait3A_99, %dma_wait3A_100] : memref<10112x128xf32, #tpu.memory_space<vmem_shared>> -> memref<10112x128xf32, #tpu.memory_space<vmem_shared>>
        tpu.wait_indirect_dma semaphore(%run_scoped3A : memref<!tpu.dma_semaphore, #tpu.memory_space<semaphore_mem>>) src(%arg10 : memref<128x128xf32, #tpu.memory_space<vmem>>) dst(%dma_wait3A_101 : memref<10112x128xf32, #tpu.memory_space<vmem_shared>>)
        tpu.yield
      }) : () -> ()
      %add3A_60 = arith.constant 2 : i32
      %add3A_61 = arith.addi %mul3A_48, %add3A_60 : i32
      %lt3A_62 = arith.constant 80 : i32
      %lt3A_63 = arith.cmpi slt, %add3A_61, %lt3A_62 : i32
      %convert_element_type3A_64 = arith.extui %lt3A_63 : i1 to i32
      %cond3A_65 = arith.constant 0 : i32
      %cond3A_66 = arith.cmpi ne, %convert_element_type3A_64, %cond3A_65 : i32
      scf.if %cond3A_66 {
        %mul3A_90 = arith.constant 80 : i32
        %mul3A_91 = arith.muli %add3A, %mul3A_90 : i32
        %add3A_92 = arith.addi %mul3A_91, %mul3A_48 : i32
        %add3A_93 = arith.constant 2 : i32
        %add3A_94 = arith.addi %add3A_92, %add3A_93 : i32
        %dma_start3A_95 = arith.constant 0 : i32
        %dma_start3A_96 = arith.constant 0 : i32
        %dma_start3A_97 = tpu.memref_slice %arg3[%add3A_94, %dma_start3A_95, %dma_start3A_96] : memref<2560x1x128xi32, #tpu.memory_space<hbm>> -> memref<1x1x128xi32, #tpu.memory_space<hbm>>
        %dma_start3A_98 = tpu.memref_squeeze %dma_start3A_97 : memref<1x1x128xi32, #tpu.memory_space<hbm>> -> memref<1x128xi32, #tpu.memory_space<hbm>>
        %dma_start3A_99 = arith.constant 0 : i32
        %dma_start3A_100 = arith.constant 0 : i32
        %dma_start3A_101 = tpu.memref_slice %arg3[%add3A_94, %dma_start3A_99, %dma_start3A_100] : memref<2560x1x128xi32, #tpu.memory_space<hbm>> -> memref<1x1x128xi32, #tpu.memory_space<hbm>>
        %dma_start3A_102 = tpu.memref_squeeze %dma_start3A_101 : memref<1x1x128xi32, #tpu.memory_space<hbm>> -> memref<1x128xi32, #tpu.memory_space<hbm>>
        tpu.enqueue_dma source(%dma_start3A_102 : memref<1x128xi32, #tpu.memory_space<hbm>>) target(%arg7 : memref<1x128xi32, #tpu.memory_space<vmem>>) target_semaphore(%arg13 : memref<!tpu.dma_semaphore, #tpu.memory_space<semaphore_mem>>)
      } else {
      }
      %add3A_67 = arith.constant 1 : i32
      %add3A_68 = arith.addi %mul3A_48, %add3A_67 : i32
      %add3A_69 = arith.constant 1 : i32
      %add3A_70 = arith.addi %add3A_68, %add3A_69 : i32
      %lt3A_71 = arith.constant 80 : i32
      %lt3A_72 = arith.cmpi slt, %add3A_70, %lt3A_71 : i32
      %convert_element_type3A_73 = arith.extui %lt3A_72 : i1 to i32
      %cond3A_74 = arith.constant 0 : i32
      %cond3A_75 = arith.cmpi ne, %convert_element_type3A_73, %cond3A_74 : i32
      scf.if %cond3A_75 {
        %mul3A_90 = arith.constant 80 : i32
        %mul3A_91 = arith.muli %add3A, %mul3A_90 : i32
        %dma_wait3A_92 = arith.constant 0 : i32
        %dma_wait3A_93 = arith.constant 0 : i32
        %dma_wait3A_94 = tpu.memref_slice %arg3[%mul3A_91, %dma_wait3A_92, %dma_wait3A_93] : memref<2560x1x128xi32, #tpu.memory_space<hbm>> -> memref<1x1x128xi32, #tpu.memory_space<hbm>>
        %dma_wait3A_95 = tpu.memref_squeeze %dma_wait3A_94 : memref<1x1x128xi32, #tpu.memory_space<hbm>> -> memref<1x128xi32, #tpu.memory_space<hbm>>
        %dma_wait3A_96 = arith.constant 0 : i32
        %dma_wait3A_97 = arith.constant 0 : i32
        %dma_wait3A_98 = tpu.memref_slice %arg3[%mul3A_91, %dma_wait3A_96, %dma_wait3A_97] : memref<2560x1x128xi32, #tpu.memory_space<hbm>> -> memref<1x1x128xi32, #tpu.memory_space<hbm>>
        %dma_wait3A_99 = tpu.memref_squeeze %dma_wait3A_98 : memref<1x1x128xi32, #tpu.memory_space<hbm>> -> memref<1x128xi32, #tpu.memory_space<hbm>>
        tpu.wait_dma2 semaphore(%arg13 : memref<!tpu.dma_semaphore, #tpu.memory_space<semaphore_mem>>) src(%dma_wait3A_99 : memref<1x128xi32, #tpu.memory_space<hbm>>) dst(%arg7 : memref<1x128xi32, #tpu.memory_space<vmem>>)
        %dma_start3A_100 = arith.constant 0 : i32
        %dma_start3A_101 = arith.constant 0 : i32
        %dma_start3A_102 = tpu.memref_slice %arg7[%dma_start3A_100, %dma_start3A_101] : memref<1x128xi32, #tpu.memory_space<vmem>> -> memref<1x128xi32, #tpu.memory_space<vmem>>
        %dma_start3A_103 = tpu.memref_squeeze %dma_start3A_102 : memref<1x128xi32, #tpu.memory_space<vmem>> -> memref<128xi32, #tpu.memory_space<vmem>>
        %dma_start3A_104 = arith.constant 0 : i32
        %dma_start3A_105 = arith.constant 0 : i32
        %dma_start3A_106 = tpu.memref_slice %arg2[%dma_start3A_104, %dma_start3A_105] : memref<10000x128xf32, #tpu.memory_space<hbm>> -> memref<10000x128xf32, #tpu.memory_space<hbm>>
        tpu.enqueue_indirect_dma source(%dma_start3A_106 : memref<10000x128xf32, #tpu.memory_space<hbm>>) target(%arg10 : memref<128x128xf32, #tpu.memory_space<vmem>>) offsets(%dma_start3A_103 : memref<128xi32, #tpu.memory_space<vmem>>) semaphore(%arg15 : memref<!tpu.dma_semaphore, #tpu.memory_space<semaphore_mem>>)
      } else {
      }
      %dma_wait3A_76 = arith.constant 0 : i32
      %dma_wait3A_77 = arith.constant 0 : i32
      %dma_wait3A_78 = tpu.memref_slice %arg8[%dma_wait3A_76, %dma_wait3A_77] : memref<1x128xi32, #tpu.memory_space<vmem>> -> memref<1x128xi32, #tpu.memory_space<vmem>>
      %dma_wait3A_79 = tpu.memref_squeeze %dma_wait3A_78 : memref<1x128xi32, #tpu.memory_space<vmem>> -> memref<128xi32, #tpu.memory_space<vmem>>
      %dma_wait3A_80 = arith.constant 0 : i32
      %dma_wait3A_81 = arith.constant 0 : i32
      %dma_wait3A_82 = tpu.memref_slice %arg2[%dma_wait3A_80, %dma_wait3A_81] : memref<10000x128xf32, #tpu.memory_space<hbm>> -> memref<10000x128xf32, #tpu.memory_space<hbm>>
      tpu.wait_indirect_dma semaphore(%arg16 : memref<!tpu.dma_semaphore, #tpu.memory_space<semaphore_mem>>) src(%dma_wait3A_82 : memref<10000x128xf32, #tpu.memory_space<hbm>>) dst(%arg11 : memref<128x128xf32, #tpu.memory_space<vmem>>)
      "tpu.region"() ({
        %run_scoped3A = tpu.sem_alloc : memref<!tpu.dma_semaphore, #tpu.memory_space<semaphore_mem>>
        %dma_start3A_90 = arith.constant 0 : i32
        %dma_start3A_91 = tpu.memref_slice %arg9[%add3A_68, %dma_start3A_90] : memref<80x128xi32, #tpu.memory_space<vmem>> -> memref<1x128xi32, #tpu.memory_space<vmem>>
        %dma_start3A_92 = tpu.memref_squeeze %dma_start3A_91 : memref<1x128xi32, #tpu.memory_space<vmem>> -> memref<128xi32, #tpu.memory_space<vmem>>
        %dma_start3A_93 = arith.constant 0 : i32
        %dma_start3A_94 = arith.constant 0 : i32
        %dma_start3A_95 = tpu.memref_slice %arg12[%dma_start3A_93, %dma_start3A_94] : memref<10112x128xf32, #tpu.memory_space<vmem_shared>> -> memref<10112x128xf32, #tpu.memory_space<vmem_shared>>
        tpu.enqueue_indirect_dma source(%arg11 : memref<128x128xf32, #tpu.memory_space<vmem>>) target(%dma_start3A_95 : memref<10112x128xf32, #tpu.memory_space<vmem_shared>>) offsets(%dma_start3A_92 : memref<128xi32, #tpu.memory_space<vmem>>) semaphore(%run_scoped3A : memref<!tpu.dma_semaphore, #tpu.memory_space<semaphore_mem>>) {add = true}
        %dma_wait3A_96 = arith.constant 0 : i32
        %dma_wait3A_97 = tpu.memref_slice %arg9[%add3A_68, %dma_wait3A_96] : memref<80x128xi32, #tpu.memory_space<vmem>> -> memref<1x128xi32, #tpu.memory_space<vmem>>
        %dma_wait3A_98 = tpu.memref_squeeze %dma_wait3A_97 : memref<1x128xi32, #tpu.memory_space<vmem>> -> memref<128xi32, #tpu.memory_space<vmem>>
        %dma_wait3A_99 = arith.constant 0 : i32
        %dma_wait3A_100 = arith.constant 0 : i32
        %dma_wait3A_101 = tpu.memref_slice %arg12[%dma_wait3A_99, %dma_wait3A_100] : memref<10112x128xf32, #tpu.memory_space<vmem_shared>> -> memref<10112x128xf32, #tpu.memory_space<vmem_shared>>
        tpu.wait_indirect_dma semaphore(%run_scoped3A : memref<!tpu.dma_semaphore, #tpu.memory_space<semaphore_mem>>) src(%arg11 : memref<128x128xf32, #tpu.memory_space<vmem>>) dst(%dma_wait3A_101 : memref<10112x128xf32, #tpu.memory_space<vmem_shared>>)
        tpu.yield
      }) : () -> ()
      %add3A_83 = arith.constant 2 : i32
      %add3A_84 = arith.addi %add3A_68, %add3A_83 : i32
      %lt3A_85 = arith.constant 80 : i32
      %lt3A_86 = arith.cmpi slt, %add3A_84, %lt3A_85 : i32
      %convert_element_type3A_87 = arith.extui %lt3A_86 : i1 to i32
      %cond3A_88 = arith.constant 0 : i32
      %cond3A_89 = arith.cmpi ne, %convert_element_type3A_87, %cond3A_88 : i32
      scf.if %cond3A_89 {
        %mul3A_90 = arith.constant 80 : i32
        %mul3A_91 = arith.muli %add3A, %mul3A_90 : i32
        %add3A_92 = arith.addi %mul3A_91, %add3A_68 : i32
        %add3A_93 = arith.constant 2 : i32
        %add3A_94 = arith.addi %add3A_92, %add3A_93 : i32
        %dma_start3A_95 = arith.constant 0 : i32
        %dma_start3A_96 = arith.constant 0 : i32
        %dma_start3A_97 = tpu.memref_slice %arg3[%add3A_94, %dma_start3A_95, %dma_start3A_96] : memref<2560x1x128xi32, #tpu.memory_space<hbm>> -> memref<1x1x128xi32, #tpu.memory_space<hbm>>
        %dma_start3A_98 = tpu.memref_squeeze %dma_start3A_97 : memref<1x1x128xi32, #tpu.memory_space<hbm>> -> memref<1x128xi32, #tpu.memory_space<hbm>>
        %dma_start3A_99 = arith.constant 0 : i32
        %dma_start3A_100 = arith.constant 0 : i32
        %dma_start3A_101 = tpu.memref_slice %arg3[%add3A_94, %dma_start3A_99, %dma_start3A_100] : memref<2560x1x128xi32, #tpu.memory_space<hbm>> -> memref<1x1x128xi32, #tpu.memory_space<hbm>>
        %dma_start3A_102 = tpu.memref_squeeze %dma_start3A_101 : memref<1x1x128xi32, #tpu.memory_space<hbm>> -> memref<1x128xi32, #tpu.memory_space<hbm>>
        tpu.enqueue_dma source(%dma_start3A_102 : memref<1x128xi32, #tpu.memory_space<hbm>>) target(%arg8 : memref<1x128xi32, #tpu.memory_space<vmem>>) target_semaphore(%arg14 : memref<!tpu.dma_semaphore, #tpu.memory_space<semaphore_mem>>)
      } else {
      }
    }
    %scan3A_44 = arith.constant 40 : i32
    %barrier3A_45 = arith.constant 0 : index
    tpu.barrier barrier_id(%barrier3A_45)
    "tpu.region"() ({
      %run_scoped3A = tpu.sem_alloc : memref<!tpu.dma_semaphore, #tpu.memory_space<semaphore_mem>>
      %dma_start3A_46 = arith.constant 0 : i32
      %dma_start3A_47 = tpu.memref_slice %arg6[%arg0, %mul3A_2, %dma_start3A_46] : memref<2x10112x128xf32, #tpu.memory_space<hbm>> -> memref<1x632x128xf32, #tpu.memory_space<hbm>>
      %dma_start3A_48 = tpu.memref_squeeze %dma_start3A_47 : memref<1x632x128xf32, #tpu.memory_space<hbm>> -> memref<632x128xf32, #tpu.memory_space<hbm>>
      %dma_start3A_49 = arith.constant 0 : i32
      %dma_start3A_50 = tpu.memref_slice %arg12[%mul3A_2, %dma_start3A_49] : memref<10112x128xf32, #tpu.memory_space<vmem_shared>> -> memref<632x128xf32, #tpu.memory_space<vmem_shared>>
      tpu.enqueue_dma source(%dma_start3A_50 : memref<632x128xf32, #tpu.memory_space<vmem_shared>>) target(%dma_start3A_48 : memref<632x128xf32, #tpu.memory_space<hbm>>) target_semaphore(%run_scoped3A : memref<!tpu.dma_semaphore, #tpu.memory_space<semaphore_mem>>)
      %dma_wait3A_51 = arith.constant 0 : i32
      %dma_wait3A_52 = tpu.memref_slice %arg6[%arg0, %mul3A_2, %dma_wait3A_51] : memref<2x10112x128xf32, #tpu.memory_space<hbm>> -> memref<1x632x128xf32, #tpu.memory_space<hbm>>
      %dma_wait3A_53 = tpu.memref_squeeze %dma_wait3A_52 : memref<1x632x128xf32, #tpu.memory_space<hbm>> -> memref<632x128xf32, #tpu.memory_space<hbm>>
      %dma_wait3A_54 = arith.constant 0 : i32
      %dma_wait3A_55 = tpu.memref_slice %arg12[%mul3A_2, %dma_wait3A_54] : memref<10112x128xf32, #tpu.memory_space<vmem_shared>> -> memref<632x128xf32, #tpu.memory_space<vmem_shared>>
      tpu.wait_dma2 semaphore(%run_scoped3A : memref<!tpu.dma_semaphore, #tpu.memory_space<semaphore_mem>>) src(%dma_wait3A_55 : memref<632x128xf32, #tpu.memory_space<vmem_shared>>) dst(%dma_wait3A_53 : memref<632x128xf32, #tpu.memory_space<hbm>>)
      tpu.yield
    }) : () -> ()
    return
  }
}

module attributes {stable_mosaic.version = 14 : i64} {
  func.func @_log1p_body(%arg0: i32, %arg1: memref<1000x128xf32, #tpu.memory_space<vmem>>, %arg2: memref<1000x128xf32, #tpu.memory_space<vmem>>) attributes {dimension_semantics = [#tpu.dimension_semantics<arbitrary>], iteration_bounds = array<i64: 10>, scalar_prefetch = 0 : i64, scratch_operands = 0 : i64, tpu.core_type = #tpu.core_type<tc>, window_params = [{transform_indices = @transform_0, window_bounds = array<i64: 1000, 128>}, {transform_indices = @transform_1, window_bounds = array<i64: 1000, 128>}]} {
    %get3A = arith.constant 0 : index
    %get3A_0 = arith.constant 0 : index
    %get3A_1 = vector.load %arg1[%get3A, %get3A_0] : memref<1000x128xf32, #tpu.memory_space<vmem>>, vector<1000x128xf32>
    %add3A = arith.constant 1.000000e+00 : f32
    %add3A_2 = vector.broadcast %add3A : f32 to vector<1000x128xf32>
    %add3A_3 = arith.addf %get3A_1, %add3A_2 : vector<1000x128xf32>
    %log3A = math.log %add3A_3 : vector<1000x128xf32>
    %swap3A = arith.constant 0 : index
    %swap3A_4 = arith.constant 0 : index
    %swap3A_5 = vector.load %arg2[%swap3A, %swap3A_4] : memref<1000x128xf32, #tpu.memory_space<vmem>>, vector<1000x128xf32>
    tpu.vector_store %arg2[%swap3A, %swap3A_4], %log3A {strides = array<i32>} : memref<1000x128xf32, #tpu.memory_space<vmem>>, vector<1000x128xf32>,
    return
  }
  func.func @transform_0(%arg0: i32) -> (i32, i32) {
    %c0_i32 = arith.constant 0 : i32
    %c0_i32_0 = arith.constant 0 : i32
    return %arg0, %c0_i32 : i32, i32
  }
  func.func @transform_1(%arg0: i32) -> (i32, i32) {
    %c0_i32 = arith.constant 0 : i32
    %c0_i32_0 = arith.constant 0 : i32
    return %arg0, %c0_i32 : i32, i32
  }
}

module attributes {stable_mosaic.version = 14 : i64} {
  func.func @_mm1_body(%arg0: i32, %arg1: memref<1000x128xf32, #tpu.memory_space<vmem>>, %arg2: memref<2x1000x128xf32, #tpu.memory_space<vmem>>, %arg3: memref<1000x1xf32, #tpu.memory_space<vmem>>, %arg4: memref<128x128xf32, #tpu.memory_space<vmem>>, %arg5: memref<128x128xf32, #tpu.memory_space<vmem>>, %arg6: memref<1x128xf32, #tpu.memory_space<vmem>>, %arg7: memref<1000x128xf32, #tpu.memory_space<vmem>>, %arg8: memref<2x128xf32, #tpu.memory_space<vmem>>) attributes {dimension_semantics = [#tpu.dimension_semantics<arbitrary>], iteration_bounds = array<i64: 10>, scalar_prefetch = 0 : i64, scratch_operands = 0 : i64, tpu.core_type = #tpu.core_type<tc>, window_params = [{transform_indices = @transform_0, window_bounds = array<i64: 1000, 128>}, {transform_indices = @transform_1, window_bounds = array<i64: 2, 1000, 128>}, {transform_indices = @transform_2, window_bounds = array<i64: 1000, 1>}, {pipeline_mode = #tpu.pipeline_mode<synchronous>, transform_indices = @transform_3, window_bounds = array<i64: 128, 128>}, {pipeline_mode = #tpu.pipeline_mode<synchronous>, transform_indices = @transform_4, window_bounds = array<i64: 128, 128>}, {pipeline_mode = #tpu.pipeline_mode<synchronous>, transform_indices = @transform_5, window_bounds = array<i64: 1, 128>}, {transform_indices = @transform_6, window_bounds = array<i64: 1000, 128>}, {pipeline_mode = #tpu.pipeline_mode<synchronous>, transform_indices = @transform_7, window_bounds = array<i64: 2, 128>}]} {
    %get3A = arith.constant 0 : index
    %get3A_0 = arith.constant 0 : index
    %get3A_1 = arith.constant 0 : index
    %get3A_2 = vector.load %arg2[%get3A, %get3A_0, %get3A_1] : memref<2x1000x128xf32, #tpu.memory_space<vmem>>, vector<1x1000x128xf32>
    %get3A_3 = vector.shape_cast %get3A_2 : vector<1x1000x128xf32> to vector<1000x128xf32>
    %get3A_4 = arith.constant 1 : index
    %get3A_5 = arith.constant 0 : index
    %get3A_6 = arith.constant 0 : index
    %get3A_7 = vector.load %arg2[%get3A_4, %get3A_5, %get3A_6] : memref<2x1000x128xf32, #tpu.memory_space<vmem>>, vector<1x1000x128xf32>
    %get3A_8 = vector.shape_cast %get3A_7 : vector<1x1000x128xf32> to vector<1000x128xf32>
    %add3A = arith.addf %get3A_3, %get3A_8 : vector<1000x128xf32>
    %get3A_9 = arith.constant 0 : index
    %get3A_10 = arith.constant 0 : index
    %get3A_11 = vector.load %arg3[%get3A_9, %get3A_10] : memref<1000x1xf32, #tpu.memory_space<vmem>>, vector<1000x1xf32>
    %max3A = arith.constant 1.000000e+00 : f32
    %max3A_12 = vector.broadcast %max3A : f32 to vector<1000x1xf32>
    %max3A_13 = arith.maximumf %get3A_11, %max3A_12 : vector<1000x1xf32>
    %div3A = vector.broadcast %max3A_13 : vector<1000x1xf32> to vector<1000x128xf32>
    %div3A_14 = arith.divf %add3A, %div3A : vector<1000x128xf32>
    %get3A_15 = arith.constant 0 : index
    %get3A_16 = arith.constant 0 : index
    %get3A_17 = vector.load %arg1[%get3A_15, %get3A_16] : memref<1000x128xf32, #tpu.memory_space<vmem>>, vector<1000x128xf32>
    %get3A_18 = arith.constant 0 : index
    %get3A_19 = arith.constant 0 : index
    %get3A_20 = vector.load %arg4[%get3A_18, %get3A_19] : memref<128x128xf32, #tpu.memory_space<vmem>>, vector<128x128xf32>
    %dot_general3A = arith.constant dense<0.000000e+00> : vector<1000x128xf32>
    %dot_general3A_21 = tpu.matmul %get3A_17, %get3A_20, %dot_general3A {dimension_numbers = #tpu.dot_dimension_numbers<[1], [0], [0], [1], [0, 0, 1, 1], [], []>, transpose_lhs_hint = false} : vector<1000x128xf32>, vector<128x128xf32>, vector<1000x128xf32> -> vector<1000x128xf32>
    %get3A_22 = arith.constant 0 : index
    %get3A_23 = arith.constant 0 : index
    %get3A_24 = vector.load %arg5[%get3A_22, %get3A_23] : memref<128x128xf32, #tpu.memory_space<vmem>>, vector<128x128xf32>
    %dot_general3A_25 = arith.constant dense<0.000000e+00> : vector<1000x128xf32>
    %dot_general3A_26 = tpu.matmul %div3A_14, %get3A_24, %dot_general3A_25 {dimension_numbers = #tpu.dot_dimension_numbers<[1], [0], [0], [1], [0, 0, 1, 1], [], []>, transpose_lhs_hint = false} : vector<1000x128xf32>, vector<128x128xf32>, vector<1000x128xf32> -> vector<1000x128xf32>
    %add3A_27 = arith.addf %dot_general3A_21, %dot_general3A_26 : vector<1000x128xf32>
    %get3A_28 = arith.constant 0 : index
    %get3A_29 = arith.constant 0 : index
    %get3A_30 = vector.load %arg6[%get3A_28, %get3A_29] : memref<1x128xf32, #tpu.memory_space<vmem>>, vector<1x128xf32>
    %add3A_31 = vector.broadcast %get3A_30 : vector<1x128xf32> to vector<1000x128xf32>
    %add3A_32 = arith.addf %add3A_27, %add3A_31 : vector<1000x128xf32>
    %max3A_33 = arith.constant 0.000000e+00 : f32
    %max3A_34 = vector.broadcast %max3A_33 : f32 to vector<1000x128xf32>
    %max3A_35 = arith.maximumf %add3A_32, %max3A_34 : vector<1000x128xf32>
    %swap3A = arith.constant 0 : index
    %swap3A_36 = arith.constant 0 : index
    %swap3A_37 = vector.load %arg7[%swap3A, %swap3A_36] : memref<1000x128xf32, #tpu.memory_space<vmem>>, vector<1000x128xf32>
    tpu.vector_store %arg7[%swap3A, %swap3A_36], %max3A_35 {strides = array<i32>} : memref<1000x128xf32, #tpu.memory_space<vmem>>, vector<1000x128xf32>,
    %eq3A = arith.constant 0 : i32
    %eq3A_38 = arith.cmpi eq, %arg0, %eq3A : i32
    %convert_element_type3A = arith.extui %eq3A_38 : i1 to i32
    %cond3A = arith.constant 0 : i32
    %cond3A_39 = arith.cmpi ne, %convert_element_type3A, %cond3A : i32
    scf.if %cond3A_39 {
      %broadcast_in_dim3A_54 = arith.constant 0.000000e+00 : f32
      %broadcast_in_dim3A_55 = vector.broadcast %broadcast_in_dim3A_54 : f32 to vector<2x128xf32>
      %swap3A_56 = arith.constant 0 : index
      %swap3A_57 = arith.constant 0 : index
      %swap3A_58 = vector.load %arg8[%swap3A_56, %swap3A_57] : memref<2x128xf32, #tpu.memory_space<vmem>>, vector<2x128xf32>
      tpu.vector_store %arg8[%swap3A_56, %swap3A_57], %broadcast_in_dim3A_55 {strides = array<i32>} : memref<2x128xf32, #tpu.memory_space<vmem>>, vector<2x128xf32>,
    } else {
    }
    %get3A_40 = arith.constant 0 : index
    %get3A_41 = arith.constant 0 : index
    %get3A_42 = vector.load %arg8[%get3A_40, %get3A_41] : memref<2x128xf32, #tpu.memory_space<vmem>>, vector<2x128xf32>
    %reduce_sum3A = arith.constant dense<0.000000e+00> : vector<128xf32>
    %reduce_sum3A_43 = vector.multi_reduction <add>, %max3A_35, %reduce_sum3A [0] : vector<1000x128xf32> to vector<128xf32>
    %broadcast_in_dim3A = vector.shape_cast %reduce_sum3A_43 : vector<128xf32> to vector<1x128xf32>
    %mul3A = arith.mulf %max3A_35, %max3A_35 : vector<1000x128xf32>
    %reduce_sum3A_44 = vector.shape_cast %mul3A : vector<1000x128xf32> to vector<1x1000x128xf32>
    %reduce_sum3A_45 = arith.constant dense<0.000000e+00> : vector<1xf32>
    %reduce_sum3A_46 = vector.multi_reduction <add>, %reduce_sum3A_44, %reduce_sum3A_45 [1, 2] : vector<1x1000x128xf32> to vector<1xf32>
    %reduce_sum3A_47 = vector.shape_cast %reduce_sum3A_46 : vector<1xf32> to vector<1x1x1xf32>
    %reduce_sum3A_48 = vector.extract %reduce_sum3A_47[0, 0, 0] : f32 from vector<1x1x1xf32>
    %broadcast_in_dim3A_49 = vector.broadcast %reduce_sum3A_48 : f32 to vector<1x128xf32>
    %concatenate3A = tpu.concatenate %broadcast_in_dim3A, %broadcast_in_dim3A_49 in 0 : vector<1x128xf32>, vector<1x128xf32> -> vector<2x128xf32>
    %add3A_50 = arith.addf %get3A_42, %concatenate3A : vector<2x128xf32>
    %swap3A_51 = arith.constant 0 : index
    %swap3A_52 = arith.constant 0 : index
    %swap3A_53 = vector.load %arg8[%swap3A_51, %swap3A_52] : memref<2x128xf32, #tpu.memory_space<vmem>>, vector<2x128xf32>
    tpu.vector_store %arg8[%swap3A_51, %swap3A_52], %add3A_50 {strides = array<i32>} : memref<2x128xf32, #tpu.memory_space<vmem>>, vector<2x128xf32>,
    return
  }
  func.func @transform_0(%arg0: i32) -> (i32, i32) {
    %c0_i32 = arith.constant 0 : i32
    %c0_i32_0 = arith.constant 0 : i32
    return %arg0, %c0_i32 : i32, i32
  }
  func.func @transform_1(%arg0: i32) -> (i32, i32, i32) {
    %c0_i32 = arith.constant 0 : i32
    %c0_i32_0 = arith.constant 0 : i32
    %c0_i32_1 = arith.constant 0 : i32
    return %c0_i32, %arg0, %c0_i32_0 : i32, i32, i32
  }
  func.func @transform_2(%arg0: i32) -> (i32, i32) {
    %c0_i32 = arith.constant 0 : i32
    %c0_i32_0 = arith.constant 0 : i32
    return %arg0, %c0_i32 : i32, i32
  }
  func.func @transform_3(%arg0: i32) -> (i32, i32) {
    %c0_i32 = arith.constant 0 : i32
    %c0_i32_0 = arith.constant 0 : i32
    %c0_i32_1 = arith.constant 0 : i32
    return %c0_i32, %c0_i32_0 : i32, i32
  }
  func.func @transform_4(%arg0: i32) -> (i32, i32) {
    %c0_i32 = arith.constant 0 : i32
    %c0_i32_0 = arith.constant 0 : i32
    %c0_i32_1 = arith.constant 0 : i32
    return %c0_i32, %c0_i32_0 : i32, i32
  }
  func.func @transform_5(%arg0: i32) -> (i32, i32) {
    %c0_i32 = arith.constant 0 : i32
    %c0_i32_0 = arith.constant 0 : i32
    %c0_i32_1 = arith.constant 0 : i32
    return %c0_i32, %c0_i32_0 : i32, i32
  }
  func.func @transform_6(%arg0: i32) -> (i32, i32) {
    %c0_i32 = arith.constant 0 : i32
    %c0_i32_0 = arith.constant 0 : i32
    return %arg0, %c0_i32 : i32, i32
  }
  func.func @transform_7(%arg0: i32) -> (i32, i32) {
    %c0_i32 = arith.constant 0 : i32
    %c0_i32_0 = arith.constant 0 : i32
    %c0_i32_1 = arith.constant 0 : i32
    return %c0_i32, %c0_i32_0 : i32, i32
  }
}

module attributes {stable_mosaic.version = 14 : i64} {
  func.func @_mm2_body(%arg0: i32, %arg1: memref<1000x128xf32, #tpu.memory_space<vmem>>, %arg2: memref<2x1000x128xf32, #tpu.memory_space<vmem>>, %arg3: memref<1000x1xf32, #tpu.memory_space<vmem>>, %arg4: memref<128x128xf32, #tpu.memory_space<vmem>>, %arg5: memref<128x128xf32, #tpu.memory_space<vmem>>, %arg6: memref<1x128xf32, #tpu.memory_space<vmem>>, %arg7: memref<2x128xf32, #tpu.memory_space<vmem>>, %arg8: memref<1000x128xf32, #tpu.memory_space<vmem>>, %arg9: memref<2x128xf32, #tpu.memory_space<vmem>>) attributes {dimension_semantics = [#tpu.dimension_semantics<arbitrary>], iteration_bounds = array<i64: 10>, scalar_prefetch = 0 : i64, scratch_operands = 0 : i64, tpu.core_type = #tpu.core_type<tc>, window_params = [{transform_indices = @transform_0, window_bounds = array<i64: 1000, 128>}, {transform_indices = @transform_1, window_bounds = array<i64: 2, 1000, 128>}, {transform_indices = @transform_2, window_bounds = array<i64: 1000, 1>}, {pipeline_mode = #tpu.pipeline_mode<synchronous>, transform_indices = @transform_3, window_bounds = array<i64: 128, 128>}, {pipeline_mode = #tpu.pipeline_mode<synchronous>, transform_indices = @transform_4, window_bounds = array<i64: 128, 128>}, {pipeline_mode = #tpu.pipeline_mode<synchronous>, transform_indices = @transform_5, window_bounds = array<i64: 1, 128>}, {pipeline_mode = #tpu.pipeline_mode<synchronous>, transform_indices = @transform_6, window_bounds = array<i64: 2, 128>}, {transform_indices = @transform_7, window_bounds = array<i64: 1000, 128>}, {pipeline_mode = #tpu.pipeline_mode<synchronous>, transform_indices = @transform_8, window_bounds = array<i64: 2, 128>}]} {
    %get3A = arith.constant 0 : index
    %get3A_0 = arith.constant 0 : index
    %get3A_1 = vector.load %arg7[%get3A, %get3A_0] : memref<2x128xf32, #tpu.memory_space<vmem>>, vector<2x128xf32>
    %slice3A = vector.extract_strided_slice %get3A_1 {offsets = [0, 0], sizes = [1, 128], strides = [1, 1]} : vector<2x128xf32> to vector<1x128xf32>
    %div3A = arith.constant 1.000000e+04 : f32
    %div3A_2 = vector.broadcast %div3A : f32 to vector<1x128xf32>
    %div3A_3 = arith.divf %slice3A, %div3A_2 : vector<1x128xf32>
    %slice3A_4 = vector.extract_strided_slice %get3A_1 {offsets = [1, 0], sizes = [1, 1], strides = [1, 1]} : vector<2x128xf32> to vector<1x1xf32>
    %squeeze3A = vector.extract %slice3A_4[0, 0] : f32 from vector<1x1xf32>
    %div3A_5 = arith.constant 1.000000e+04 : f32
    %div3A_6 = arith.divf %squeeze3A, %div3A_5 : f32
    %mul3A = arith.mulf %div3A_3, %div3A_3 : vector<1x128xf32>
    %reduce_sum3A = vector.shape_cast %mul3A : vector<1x128xf32> to vector<1x1x128xf32>
    %reduce_sum3A_7 = arith.constant dense<0.000000e+00> : vector<1xf32>
    %reduce_sum3A_8 = vector.multi_reduction <add>, %reduce_sum3A, %reduce_sum3A_7 [1, 2] : vector<1x1x128xf32> to vector<1xf32>
    %reduce_sum3A_9 = vector.shape_cast %reduce_sum3A_8 : vector<1xf32> to vector<1x1x1xf32>
    %reduce_sum3A_10 = vector.extract %reduce_sum3A_9[0, 0, 0] : f32 from vector<1x1x1xf32>
    %sub3A = arith.subf %div3A_6, %reduce_sum3A_10 : f32
    %add3A = arith.constant 9.99999974E-6 : f32
    %add3A_11 = arith.addf %sub3A, %add3A : f32
    %rsqrt3A = math.rsqrt %add3A_11 : f32
    %get3A_12 = arith.constant 0 : index
    %get3A_13 = arith.constant 0 : index
    %get3A_14 = arith.constant 0 : index
    %get3A_15 = vector.load %arg2[%get3A_12, %get3A_13, %get3A_14] : memref<2x1000x128xf32, #tpu.memory_space<vmem>>, vector<1x1000x128xf32>
    %get3A_16 = vector.shape_cast %get3A_15 : vector<1x1000x128xf32> to vector<1000x128xf32>
    %get3A_17 = arith.constant 1 : index
    %get3A_18 = arith.constant 0 : index
    %get3A_19 = arith.constant 0 : index
    %get3A_20 = vector.load %arg2[%get3A_17, %get3A_18, %get3A_19] : memref<2x1000x128xf32, #tpu.memory_space<vmem>>, vector<1x1000x128xf32>
    %get3A_21 = vector.shape_cast %get3A_20 : vector<1x1000x128xf32> to vector<1000x128xf32>
    %add3A_22 = arith.addf %get3A_16, %get3A_21 : vector<1000x128xf32>
    %get3A_23 = arith.constant 0 : index
    %get3A_24 = arith.constant 0 : index
    %get3A_25 = vector.load %arg3[%get3A_23, %get3A_24] : memref<1000x1xf32, #tpu.memory_space<vmem>>, vector<1000x1xf32>
    %get3A_26 = arith.constant 0 : index
    %get3A_27 = arith.constant 0 : index
    %get3A_28 = vector.load %arg1[%get3A_26, %get3A_27] : memref<1000x128xf32, #tpu.memory_space<vmem>>, vector<1000x128xf32>
    %sub3A_29 = vector.broadcast %div3A_3 : vector<1x128xf32> to vector<1000x128xf32>
    %sub3A_30 = arith.subf %get3A_28, %sub3A_29 : vector<1000x128xf32>
    %mul3A_31 = vector.broadcast %rsqrt3A : f32 to vector<1000x128xf32>
    %mul3A_32 = arith.mulf %sub3A_30, %mul3A_31 : vector<1000x128xf32>
    %mul3A_33 = vector.broadcast %get3A_25 : vector<1000x1xf32> to vector<1000x128xf32>
    %mul3A_34 = vector.broadcast %div3A_3 : vector<1x128xf32> to vector<1000x128xf32>
    %mul3A_35 = arith.mulf %mul3A_33, %mul3A_34 : vector<1000x128xf32>
    %sub3A_36 = arith.subf %add3A_22, %mul3A_35 : vector<1000x128xf32>
    %mul3A_37 = vector.broadcast %rsqrt3A : f32 to vector<1000x128xf32>
    %mul3A_38 = arith.mulf %sub3A_36, %mul3A_37 : vector<1000x128xf32>
    %max3A = arith.constant 1.000000e+00 : f32
    %max3A_39 = vector.broadcast %max3A : f32 to vector<1000x1xf32>
    %max3A_40 = arith.maximumf %get3A_25, %max3A_39 : vector<1000x1xf32>
    %div3A_41 = vector.broadcast %max3A_40 : vector<1000x1xf32> to vector<1000x128xf32>
    %div3A_42 = arith.divf %mul3A_38, %div3A_41 : vector<1000x128xf32>
    %get3A_43 = arith.constant 0 : index
    %get3A_44 = arith.constant 0 : index
    %get3A_45 = vector.load %arg4[%get3A_43, %get3A_44] : memref<128x128xf32, #tpu.memory_space<vmem>>, vector<128x128xf32>
    %dot_general3A = arith.constant dense<0.000000e+00> : vector<1000x128xf32>
    %dot_general3A_46 = tpu.matmul %mul3A_32, %get3A_45, %dot_general3A {dimension_numbers = #tpu.dot_dimension_numbers<[1], [0], [0], [1], [0, 0, 1, 1], [], []>, transpose_lhs_hint = false} : vector<1000x128xf32>, vector<128x128xf32>, vector<1000x128xf32> -> vector<1000x128xf32>
    %get3A_47 = arith.constant 0 : index
    %get3A_48 = arith.constant 0 : index
    %get3A_49 = vector.load %arg5[%get3A_47, %get3A_48] : memref<128x128xf32, #tpu.memory_space<vmem>>, vector<128x128xf32>
    %dot_general3A_50 = arith.constant dense<0.000000e+00> : vector<1000x128xf32>
    %dot_general3A_51 = tpu.matmul %div3A_42, %get3A_49, %dot_general3A_50 {dimension_numbers = #tpu.dot_dimension_numbers<[1], [0], [0], [1], [0, 0, 1, 1], [], []>, transpose_lhs_hint = false} : vector<1000x128xf32>, vector<128x128xf32>, vector<1000x128xf32> -> vector<1000x128xf32>
    %add3A_52 = arith.addf %dot_general3A_46, %dot_general3A_51 : vector<1000x128xf32>
    %get3A_53 = arith.constant 0 : index
    %get3A_54 = arith.constant 0 : index
    %get3A_55 = vector.load %arg6[%get3A_53, %get3A_54] : memref<1x128xf32, #tpu.memory_space<vmem>>, vector<1x128xf32>
    %add3A_56 = vector.broadcast %get3A_55 : vector<1x128xf32> to vector<1000x128xf32>
    %add3A_57 = arith.addf %add3A_52, %add3A_56 : vector<1000x128xf32>
    %max3A_58 = arith.constant 0.000000e+00 : f32
    %max3A_59 = vector.broadcast %max3A_58 : f32 to vector<1000x128xf32>
    %max3A_60 = arith.maximumf %add3A_57, %max3A_59 : vector<1000x128xf32>
    %swap3A = arith.constant 0 : index
    %swap3A_61 = arith.constant 0 : index
    %swap3A_62 = vector.load %arg8[%swap3A, %swap3A_61] : memref<1000x128xf32, #tpu.memory_space<vmem>>, vector<1000x128xf32>
    tpu.vector_store %arg8[%swap3A, %swap3A_61], %max3A_60 {strides = array<i32>} : memref<1000x128xf32, #tpu.memory_space<vmem>>, vector<1000x128xf32>,
    %eq3A = arith.constant 0 : i32
    %eq3A_63 = arith.cmpi eq, %arg0, %eq3A : i32
    %convert_element_type3A = arith.extui %eq3A_63 : i1 to i32
    %cond3A = arith.constant 0 : i32
    %cond3A_64 = arith.cmpi ne, %convert_element_type3A, %cond3A : i32
    scf.if %cond3A_64 {
      %broadcast_in_dim3A_81 = arith.constant 0.000000e+00 : f32
      %broadcast_in_dim3A_82 = vector.broadcast %broadcast_in_dim3A_81 : f32 to vector<2x128xf32>
      %swap3A_83 = arith.constant 0 : index
      %swap3A_84 = arith.constant 0 : index
      %swap3A_85 = vector.load %arg9[%swap3A_83, %swap3A_84] : memref<2x128xf32, #tpu.memory_space<vmem>>, vector<2x128xf32>
      tpu.vector_store %arg9[%swap3A_83, %swap3A_84], %broadcast_in_dim3A_82 {strides = array<i32>} : memref<2x128xf32, #tpu.memory_space<vmem>>, vector<2x128xf32>,
    } else {
    }
    %get3A_65 = arith.constant 0 : index
    %get3A_66 = arith.constant 0 : index
    %get3A_67 = vector.load %arg9[%get3A_65, %get3A_66] : memref<2x128xf32, #tpu.memory_space<vmem>>, vector<2x128xf32>
    %reduce_sum3A_68 = arith.constant dense<0.000000e+00> : vector<128xf32>
    %reduce_sum3A_69 = vector.multi_reduction <add>, %max3A_60, %reduce_sum3A_68 [0] : vector<1000x128xf32> to vector<128xf32>
    %broadcast_in_dim3A = vector.shape_cast %reduce_sum3A_69 : vector<128xf32> to vector<1x128xf32>
    %mul3A_70 = arith.mulf %max3A_60, %max3A_60 : vector<1000x128xf32>
    %reduce_sum3A_71 = vector.shape_cast %mul3A_70 : vector<1000x128xf32> to vector<1x1000x128xf32>
    %reduce_sum3A_72 = arith.constant dense<0.000000e+00> : vector<1xf32>
    %reduce_sum3A_73 = vector.multi_reduction <add>, %reduce_sum3A_71, %reduce_sum3A_72 [1, 2] : vector<1x1000x128xf32> to vector<1xf32>
    %reduce_sum3A_74 = vector.shape_cast %reduce_sum3A_73 : vector<1xf32> to vector<1x1x1xf32>
    %reduce_sum3A_75 = vector.extract %reduce_sum3A_74[0, 0, 0] : f32 from vector<1x1x1xf32>
    %broadcast_in_dim3A_76 = vector.broadcast %reduce_sum3A_75 : f32 to vector<1x128xf32>
    %concatenate3A = tpu.concatenate %broadcast_in_dim3A, %broadcast_in_dim3A_76 in 0 : vector<1x128xf32>, vector<1x128xf32> -> vector<2x128xf32>
    %add3A_77 = arith.addf %get3A_67, %concatenate3A : vector<2x128xf32>
    %swap3A_78 = arith.constant 0 : index
    %swap3A_79 = arith.constant 0 : index
    %swap3A_80 = vector.load %arg9[%swap3A_78, %swap3A_79] : memref<2x128xf32, #tpu.memory_space<vmem>>, vector<2x128xf32>
    tpu.vector_store %arg9[%swap3A_78, %swap3A_79], %add3A_77 {strides = array<i32>} : memref<2x128xf32, #tpu.memory_space<vmem>>, vector<2x128xf32>,
    return
  }
  func.func @transform_0(%arg0: i32) -> (i32, i32) {
    %c0_i32 = arith.constant 0 : i32
    %c0_i32_0 = arith.constant 0 : i32
    return %arg0, %c0_i32 : i32, i32
  }
  func.func @transform_1(%arg0: i32) -> (i32, i32, i32) {
    %c0_i32 = arith.constant 0 : i32
    %c0_i32_0 = arith.constant 0 : i32
    %c0_i32_1 = arith.constant 0 : i32
    return %c0_i32, %arg0, %c0_i32_0 : i32, i32, i32
  }
  func.func @transform_2(%arg0: i32) -> (i32, i32) {
    %c0_i32 = arith.constant 0 : i32
    %c0_i32_0 = arith.constant 0 : i32
    return %arg0, %c0_i32 : i32, i32
  }
  func.func @transform_3(%arg0: i32) -> (i32, i32) {
    %c0_i32 = arith.constant 0 : i32
    %c0_i32_0 = arith.constant 0 : i32
    %c0_i32_1 = arith.constant 0 : i32
    return %c0_i32, %c0_i32_0 : i32, i32
  }
  func.func @transform_4(%arg0: i32) -> (i32, i32) {
    %c0_i32 = arith.constant 0 : i32
    %c0_i32_0 = arith.constant 0 : i32
    %c0_i32_1 = arith.constant 0 : i32
    return %c0_i32, %c0_i32_0 : i32, i32
  }
  func.func @transform_5(%arg0: i32) -> (i32, i32) {
    %c0_i32 = arith.constant 0 : i32
    %c0_i32_0 = arith.constant 0 : i32
    %c0_i32_1 = arith.constant 0 : i32
    return %c0_i32, %c0_i32_0 : i32, i32
  }
  func.func @transform_6(%arg0: i32) -> (i32, i32) {
    %c0_i32 = arith.constant 0 : i32
    %c0_i32_0 = arith.constant 0 : i32
    %c0_i32_1 = arith.constant 0 : i32
    return %c0_i32, %c0_i32_0 : i32, i32
  }
  func.func @transform_7(%arg0: i32) -> (i32, i32) {
    %c0_i32 = arith.constant 0 : i32
    %c0_i32_0 = arith.constant 0 : i32
    return %arg0, %c0_i32 : i32, i32
  }
  func.func @transform_8(%arg0: i32) -> (i32, i32) {
    %c0_i32 = arith.constant 0 : i32
    %c0_i32_0 = arith.constant 0 : i32
    %c0_i32_1 = arith.constant 0 : i32
    return %c0_i32, %c0_i32_0 : i32, i32
  }
}

module attributes {stable_mosaic.version = 14 : i64} {
  func.func @_norm_body(%arg0: i32, %arg1: memref<1000x128xf32, #tpu.memory_space<vmem>>, %arg2: memref<2x128xf32, #tpu.memory_space<vmem>>, %arg3: memref<1000x128xf32, #tpu.memory_space<vmem>>) attributes {dimension_semantics = [#tpu.dimension_semantics<arbitrary>], iteration_bounds = array<i64: 10>, scalar_prefetch = 0 : i64, scratch_operands = 0 : i64, tpu.core_type = #tpu.core_type<tc>, window_params = [{transform_indices = @transform_0, window_bounds = array<i64: 1000, 128>}, {pipeline_mode = #tpu.pipeline_mode<synchronous>, transform_indices = @transform_1, window_bounds = array<i64: 2, 128>}, {transform_indices = @transform_2, window_bounds = array<i64: 1000, 128>}]} {
    %get3A = arith.constant 0 : index
    %get3A_0 = arith.constant 0 : index
    %get3A_1 = vector.load %arg2[%get3A, %get3A_0] : memref<2x128xf32, #tpu.memory_space<vmem>>, vector<2x128xf32>
    %slice3A = vector.extract_strided_slice %get3A_1 {offsets = [0, 0], sizes = [1, 128], strides = [1, 1]} : vector<2x128xf32> to vector<1x128xf32>
    %div3A = arith.constant 1.000000e+04 : f32
    %div3A_2 = vector.broadcast %div3A : f32 to vector<1x128xf32>
    %div3A_3 = arith.divf %slice3A, %div3A_2 : vector<1x128xf32>
    %slice3A_4 = vector.extract_strided_slice %get3A_1 {offsets = [1, 0], sizes = [1, 1], strides = [1, 1]} : vector<2x128xf32> to vector<1x1xf32>
    %squeeze3A = vector.extract %slice3A_4[0, 0] : f32 from vector<1x1xf32>
    %div3A_5 = arith.constant 1.000000e+04 : f32
    %div3A_6 = arith.divf %squeeze3A, %div3A_5 : f32
    %mul3A = arith.mulf %div3A_3, %div3A_3 : vector<1x128xf32>
    %reduce_sum3A = vector.shape_cast %mul3A : vector<1x128xf32> to vector<1x1x128xf32>
    %reduce_sum3A_7 = arith.constant dense<0.000000e+00> : vector<1xf32>
    %reduce_sum3A_8 = vector.multi_reduction <add>, %reduce_sum3A, %reduce_sum3A_7 [1, 2] : vector<1x1x128xf32> to vector<1xf32>
    %reduce_sum3A_9 = vector.shape_cast %reduce_sum3A_8 : vector<1xf32> to vector<1x1x1xf32>
    %reduce_sum3A_10 = vector.extract %reduce_sum3A_9[0, 0, 0] : f32 from vector<1x1x1xf32>
    %sub3A = arith.subf %div3A_6, %reduce_sum3A_10 : f32
    %add3A = arith.constant 9.99999974E-6 : f32
    %add3A_11 = arith.addf %sub3A, %add3A : f32
    %rsqrt3A = math.rsqrt %add3A_11 : f32
    %get3A_12 = arith.constant 0 : index
    %get3A_13 = arith.constant 0 : index
    %get3A_14 = vector.load %arg1[%get3A_12, %get3A_13] : memref<1000x128xf32, #tpu.memory_space<vmem>>, vector<1000x128xf32>
    %sub3A_15 = vector.broadcast %div3A_3 : vector<1x128xf32> to vector<1000x128xf32>
    %sub3A_16 = arith.subf %get3A_14, %sub3A_15 : vector<1000x128xf32>
    %mul3A_17 = vector.broadcast %rsqrt3A : f32 to vector<1000x128xf32>
    %mul3A_18 = arith.mulf %sub3A_16, %mul3A_17 : vector<1000x128xf32>
    %swap3A = arith.constant 0 : index
    %swap3A_19 = arith.constant 0 : index
    %swap3A_20 = vector.load %arg3[%swap3A, %swap3A_19] : memref<1000x128xf32, #tpu.memory_space<vmem>>, vector<1000x128xf32>
    tpu.vector_store %arg3[%swap3A, %swap3A_19], %mul3A_18 {strides = array<i32>} : memref<1000x128xf32, #tpu.memory_space<vmem>>, vector<1000x128xf32>,
    return
  }
  func.func @transform_0(%arg0: i32) -> (i32, i32) {
    %c0_i32 = arith.constant 0 : i32
    %c0_i32_0 = arith.constant 0 : i32
    return %arg0, %c0_i32 : i32, i32
  }
  func.func @transform_1(%arg0: i32) -> (i32, i32) {
    %c0_i32 = arith.constant 0 : i32
    %c0_i32_0 = arith.constant 0 : i32
    %c0_i32_1 = arith.constant 0 : i32
    return %c0_i32, %c0_i32_0 : i32, i32
  }
  func.func @transform_2(%arg0: i32) -> (i32, i32) {
    %c0_i32 = arith.constant 0 : i32
    %c0_i32_0 = arith.constant 0 : i32
    return %arg0, %c0_i32 : i32, i32
  }
}

</mosaic_0001>

<sc_bundles>
// kernel: kernel.12.cloned.1.call-start
scs
__scs_entry_jumppad:
0x0: {  	(pc) =	sbr.rel $0x88, $3  }
0x1: {  	(tag) =	ssettag $0x0;
	lr =	simm.s32 $0x1  }
0x2: {  	[smem:$0x3F99] =	sst lr;
	_ =	strace $0xD0000000  }
0x3: {  	_ = 	snop  }
0x4: {  	_ = 	snop  }
0x5: {  	_ = 	snop  }
0x6: {  	_ = 	snop  }
0x7: {  	_ = 	snop  }
__scs_overlays_trampoline_lowered:
0x8: {  	[smem:$0x3FA8] =	sst s0  }
0x9: {  	[smem:$0x3FA9] =	sst s1  }
0xa: {  	[smem:$0x3FAA] =	sst s2  }
0xb: {  	[smem:$0x3FAB] =	sst s3  }
0xc: {  	[smem:$0x3FAC] =	sst s4  }
0xd: {  	[smem:$0x3FAD] =	sst s5  }
0xe: {  	[smem:$0x3FAE] =	sst s6  }
0xf: {  	[smem:$0x3FAF] =	sst s7  }
0x10: {  	[smem:$0x3FB0] =	sst s8  }
0x11: {  	[smem:$0x3FB1] =	sst s9;
	s0 =	simm.s32 @!p0 $0x0  }
0x12: {  	s1 =	sld [smem:$0x3F97];
	s0 =	simm.s32 @p0 $0x1  }
0x13: {  	[smem:$0x3FB2] =	sst s0;
	s0 =	simm.s32 @!p1 $0x0  }
0x14: {  	s2 =	sld [smem:$0x3F96];
	s0 =	simm.s32 @p1 $0x1  }
0x15: {  	[smem:$0x3FB3] =	sst s0;
	s0 =	simm.s32 @!p2 $0x0  }
0x16: {  	s3 =	sld [smem:$0x3FDB];
	s0 =	simm.s32 @p2 $0x1  }
0x17: {  	s4 =	simm.s32 $0x1BF5;
	[smem:$0x3FB5] =	sst s0  }
0x18: {  	s0 =	sld [smem:$0x3F98];
	_ =	swait.ge [sflag:s4], $0x0  }
0x19: {  	s7 =	sld [smem:$0x3F99]  }
0x1a: {  	s8 =	sadd.s32 $0xFFFFE003, lr  }
0x1b: {  	s9 =	sadd.s32 $0xFFFFFEF7, lr;
	s5 =	simm.s32 $0xFFFFFFFF;
	p2 =	slt.u32 s8, $0xFFFFF086  }
0x1c: {  	p1 =	slt.u32 s9, $0xF7A;
	s5 =	simm.s32 @!p2 $0x0  }
0x1d: {  	s5 =	simm.s32 @p1 $0x1;
	p0 =	seq.s32 s7, s2  }
0x1e: {  	s7 =	smul.u32 @!p0 $0xF7A, s2;
	p2 =	seq.s32 @!p0 s5, $0x0  }
0x1f: {  	s9 =	smul.u32 $0xF7A, s1;
	s8 =	simm.s32 @!p0 $0x1BF5;
	p2 =	por !p2, p0  }
0x20: {  	[sflag:s8] =	ssyncset.s32 @!p0 $0xFFFFF086;
	s6 =	sadd.s32 @!p0 s3, s7;
	s7 =	simm.s32 @!p0 $0x108  }
0x21: {  	s3 =	sadd.s32 s3, s9;
	s6 =	sadd.s32 @!p0 $0x88, s6;
	s7 =	simm.s32 @p2 $0x1082  }
0x22: {  	[simem:s7], [sflag:s8] =	dma.local @!p0 [hbm:s6], $0xF7A  }
0x23: {  	s9 =	sor.u32 $0xD0000000, s2;
	s6 =	simm.s32 $0x108;
	_ =	swait.ge @!p0 [sflag:s8], $0x0  }
0x24: {  	s3 =	sadd.s32 $0x88, s3;
	s6 =	simm.s32 @!p1 $0x1082;
	[sflag:s4] =	ssyncset.s32 $0xFFFFF086  }
0x25: {  	[simem:s6], [sflag:s4] =	dma.local [hbm:s3], $0xF7A  }
0x26: {  	[smem:$0x3F99] =	sst s1;
	(tag) =	ssettag s2;
	_ =	strace s9  }
0x27: {  	s1 =	sld [smem:$0x3FA9]  }
0x28: {  	s2 =	sld [smem:$0x3FAA]  }
0x29: {  	s4 =	sld [smem:$0x3FAC]  }
0x2a: {  	p0 =	seq.s32 s5, $0x0;
	s5 =	sld [smem:$0x3FAD]  }
0x2b: {  	s6 =	sld [smem:$0x3FAE]  }
0x2c: {  	s7 =	sld [smem:$0x3FAF]  }
0x2d: {  	s3 =	simm.s32 $0x108;
	s8 =	sld [smem:$0x3FB0]  }
0x2e: {  	s3 =	simm.s32 @!p0 $0x1082;
	s9 =	sld [smem:$0x3FB1]  }
0x2f: {  	lr =	sadd.s32 s0, s3;
	s0 =	sld [smem:$0x3FA8]  }
0x30: {  	s3 =	sld [smem:$0x3FAB]  }
0x31: {  	[smem:$0x3FB4] =	sst s10  }
0x32: {  	s10 =	sld [smem:$0x3FB2];
	_ =	sdelay $0x3  }
0x33: {  	p0 =	seq.s32 s10, $0x1;
	s10 =	sld [smem:$0x3FB4];
	_ =	sdelay $0x3  }
0x34: {  	[smem:$0x3FB4] =	sst s10  }
0x35: {  	s10 =	sld [smem:$0x3FB3];
	_ =	sdelay $0x3  }
0x36: {  	p1 =	seq.s32 s10, $0x1;
	s10 =	sld [smem:$0x3FB4];
	_ =	sdelay $0x3  }
0x37: {  	[smem:$0x3FB4] =	sst s10  }
0x38: {  	s10 =	sld [smem:$0x3FB5]  }
0x39: {  	_ = 	snop;
	(pc) =	sbr.ind lr, $3  }
0x3a: {  	_ = 	snop  }
0x3b: {  	_ = 	snop  }
0x3c: {  	p2 =	seq.s32 s10, $0x1;
	s10 =	sld [smem:$0x3FB4]  }
0x3d: {  	_ =	shalt  }
0x3e: {  	_ =	shalt  }
0x3f: {  	_ =	shalt  }
0x40: {  	_ =	shalt  }
0x41: {  	_ =	shalt  }
0x42: {  	_ =	shalt  }
0x43: {  	_ =	shalt  }
0x44: {  	_ =	shalt  }
0x45: {  	_ =	shalt  }
0x46: {  	_ =	shalt  }
0x47: {  	_ =	shalt  }
0x48: {  	_ =	shalt  }
0x49: {  	_ =	shalt  }
0x4a: {  	_ =	shalt  }
0x4b: {  	_ =	shalt  }
0x4c: {  	_ =	shalt  }
0x4d: {  	_ =	shalt  }
0x4e: {  	_ =	shalt  }
0x4f: {  	_ =	shalt  }
0x50: {  	_ =	shalt  }
0x51: {  	_ =	shalt  }
0x52: {  	_ =	shalt  }
0x53: {  	_ =	shalt  }
0x54: {  	_ =	shalt  }
0x55: {  	_ =	shalt  }
0x56: {  	_ =	shalt  }
0x57: {  	_ =	shalt  }
0x58: {  	_ =	shalt  }
0x59: {  	_ =	shalt  }
0x5a: {  	_ =	shalt  }
0x5b: {  	_ =	shalt  }
0x5c: {  	_ =	shalt  }
0x5d: {  	_ =	shalt  }
0x5e: {  	_ =	shalt  }
0x5f: {  	_ =	shalt  }
0x60: {  	_ =	shalt  }
0x61: {  	_ =	shalt  }
0x62: {  	_ =	shalt  }
0x63: {  	_ =	shalt  }
0x64: {  	_ =	shalt  }
0x65: {  	_ =	shalt  }
0x66: {  	_ =	shalt  }
0x67: {  	_ =	shalt  }
0x68: {  	_ =	shalt  }
0x69: {  	_ =	shalt  }
0x6a: {  	_ =	shalt  }
0x6b: {  	_ =	shalt  }
0x6c: {  	_ =	shalt  }
0x6d: {  	_ =	shalt  }
0x6e: {  	_ =	shalt  }
0x6f: {  	_ =	shalt  }
0x70: {  	_ =	shalt  }
0x71: {  	_ =	shalt  }
0x72: {  	_ =	shalt  }
0x73: {  	_ =	shalt  }
0x74: {  	_ =	shalt  }
0x75: {  	_ =	shalt  }
0x76: {  	_ =	shalt  }
0x77: {  	_ =	shalt  }
0x78: {  	_ =	shalt  }
0x79: {  	_ =	shalt  }
0x7a: {  	_ =	shalt  }
0x7b: {  	_ =	shalt  }
0x7c: {  	_ =	shalt  }
0x7d: {  	_ =	shalt  }
0x7e: {  	_ =	shalt  }
0x7f: {  	_ =	shalt  }
0x80: {  	_ =	shalt  }
0x81: {  	_ =	shalt  }
0x82: {  	_ =	shalt  }
0x83: {  	_ =	shalt  }
0x84: {  	_ =	shalt  }
0x85: {  	_ =	shalt  }
0x86: {  	_ =	shalt  }
0x87: {  	_ =	shalt  }
.Lfunc_end0:
.L_simem_size_0:
called_computation.1_lowered:
.L_overlay_start_0:
0x88: {  	s2 =	sld [smem:$0x3FD9]  }
0x89: {  	s3 =	sld [smem:$0x3FFE];
	_ =	sdelay $0x1  }
0x8a: {  	s1 =	srdreg.scid  }
0x8b: {  	s0 =	sand.u32 $0x1, s1  }
0x8c: {  	s17 =	sshll.u32 s0, $0xA;
	s2 =	sadd.s32 s3, s2  }
0x8d: {  	s2 =	sadd.s32 s2, s17  }
0x8e: {  	[smem:$0x3FC0] =	sst s2  }
0x8f: {  	_ = 	snop  }
0x90: {  	s18 =	sld [smem:$0x3FD0];
	(tm) =	ssettm $0x1  }
0x91: {  	s19 =	sld [smem:$0x3FFB];
	_ =	sdelay $0x3  }
0x92: {  	_ =	strace s19  }
0x93: {  	s2 =	sld [smem:$0x3FFC];
	_ =	sdelay $0x3  }
0x94: {  	_ =	strace s2  }
0x95: {  	s2 =	sld [smem:$0x3FFD];
	_ =	sdelay $0x3  }
0x96: {  	_ =	strace s2  }
0x97: {  	_ =	strace $0x8FFFFFFF  }
0x98: {  	s20 =	sld [smem:$0x3FDB];
	_ =	sdelay $0x1  }
0x99: {  	s4 =	simm.s32 $_scs_section_size  }
0x9a: {  	s5 =	simm.s32 $_size__tile_overlayer_lowered;
	s6 =	simm.s32 $_tile_overlayer_lowered  }
0x9b: {  	s7 =	simm.s32 $0x1BFF;
	s21 =	sshll.u32 s6, $0x1;
	s4 =	sadd.s32 s4, s20  }
0x9c: {  	s22 =	simm.s32 $0x0;
	s5 =	sshll.u32 s5, $0x1;
	s6 =	sadd.s32 s21, s4  }
0x9d: {  	[timem:s22], [sflag:s7] =	dma.local [hbm:s6], s5  }
0x9e: {  	_ =	swait.ge [sflag:s7], s5  }
0x9f: {  	s5 =	ssub.s32 $0x0, s5;
	[sflag:s7] =	ssyncset.done $0x0  }
0xa0: {  	[sflag:s7] =	ssyncadd.s32 s5;
	_ =	sdelay $0x1  }
0xa1: {  	s23 =	simm.s32 $0x1B8B  }
0xa2: {  	_ =	swait.ge [sflag:s23], $0x1  }
0xa3: {  	[sflag:s23] =	ssyncset.done $0x0  }
0xa4: {  	[sflag:s23] =	ssyncadd.s32 $0xFFFFFFFF  }
0xa5: {  	s5 =	sld [smem:$0x0]  }
0xa6: {  	s6 =	sand.u32 $0xFFFFFFFE, s1  }
0xa7: {  	p0 =	sne.s32 s1, s6  }
0xa8: {  	s6 =	sshll.u32 @p0 s6, $0xE  }
0xa9: {  	s6 =	sadd.s32 @p0 $0x11B8D, s6;
	s7 =	sshll.u32 @p0 s5, $0x11  }
0xaa: {  	s6 =	sor.u32 @p0 s7, s6  }
0xab: {  	[sflag:s6] =	ssyncadd.remote.s32 @p0 $0x1;
	_ =	sdelay $0x1  }
0xac: {  	s6 =	simm.s32 @p0 $0x1B8D  }
0xad: {  	_ =	swait.eq @p0 [sflag:s6], $0x1  }
0xae: {  	[sflag:s6] =	ssyncadd.s32 @p0 $0xFFFFFFFF  }
0xaf: {  	s7 =	sshll.u32 @!p0 s1, $0xE  }
0xb0: {  	s7 =	sor.u32 @!p0 $0x4000, s7;
	s6 =	simm.s32 @!p0 $0x1B8D  }
0xb1: {  	s5 =	sshll.u32 @!p0 s5, $0x11;
	s7 =	sadd.s32 @!p0 $0x11B8D, s7;
	_ =	swait.eq @!p0 [sflag:s6], $0x1  }
0xb2: {  	s5 =	sor.u32 @!p0 s5, s7;
	[sflag:s6] =	ssyncadd.s32 @!p0 $0xFFFFFFFF  }
0xb3: {  	s25 =	simm.s32 $0x1B8E;
	s24 =	sld [smem:$0x3FFE];
	[sflag:s5] =	ssyncadd.remote.s32 @!p0 $0x1  }
0xb4: {  	s26 =	simm.s32 $execute0_lowered;
	[smem:$0x3FD2] =	sst s25  }
0xb5: {  	s6 =	sshll.u32 s26, $0x1;
	_ =	strace $0x80000049;
	[dreg:$0x1] =	wrdreg $0xFFFFFFFF  }
0xb6: {  	s28 =	simm.s32 $_size_execute0_lowered;
	s4 =	sadd.s32 s4, s6;
	[dreg:$0x0] =	wrdreg $0x0  }
0xb7: {  	s6 =	sshll.u32 s28, $0x1;
	[dreg:$0x2] =	wrdreg s4  }
0xb8: {  	[dreg:$0x3] =	wrdreg s6  }
0xb9: {  	[dreg:$0x4] =	wrdreg $0xC0  }
0xba: {  	_ =	task [dreg:s22], $0x5FFFF  }
0xbb: {  	[dreg:$0x1] =	wrdreg $0xFFFFFFFF  }
0xbc: {  	[dreg:$0x0] =	wrdreg $0x60  }
0xbd: {  	[dreg:$0x2] =	wrdreg s18  }
0xbe: {  	[dreg:$0x3] =	wrdreg s24  }
0xbf: {  	[dreg:$0x4] =	wrdreg $0xA9000  }
0xc0: {  	[dreg:$0x5] =	wrdreg $0xA  }
0xc1: {  	_ =	task.clear_ibuf [dreg:s22], $0x6FFFF;
	_ =	strace $0x90000049  }
0xc2: {  	s29 =	simm.s32 $0xA;
	_ =	strace $0x8000004B  }
0xc3: {  	_ =	swait.ge [sflag:s29], $0x1  }
0xc4: {  	[sflag:s29] =	ssyncadd.s32 $0xFFFFFFFF  }
0xc5: {  	_ =	strace $0x9000004B  }
0xc6: {  	_ =	sfence  }
0xc7: {  	s30 =	sld [smem:$0x0];
	_ =	sdelay $0x2  }
0xc8: {  	s31 =	sshll.u32 s1, $0xD;
	s1 =	sshrl.u32 s1, $0x2  }
0xc9: {  	s4 =	sand.u32 $0x4000, s31;
	s1 =	sadd.s32 s1, s30  }
0xca: {  	s0 =	sor.u32 s4, s0;
	s1 =	sshll.u32 s1, $0x11  }
0xcb: {  	s0 =	sor.u32 s1, s0  }
0xcc: {  	s0 =	sadd.s32 $0x8F2B, s0  }
0xcd: {  	[sflag:s0] =	ssyncadd.remote.s32 $0x1  }
0xce: {  	_ =	sfence.sel $0xFFFF  }
0xcf: {  	[dreg:$0x0] =	wrdreg $0xFFFFFFFF;
	(pc) =	sbr.abs _section_cstart, $3  }
0xd0: {  	[dreg:$0x1] =	wrdreg $0xFFFFFFFF  }
0xd1: {  	_ =	task.clear_ibuf [dreg:s22], $0x2FFFF;
	_ =	strace $0x9FFFFFFF  }
0xd2: {  	(tm) =	ssettm $0x7FFFFFFF  }
0xd3: {  	_ =	shalt  }
tec
execute0_lowered:
.L_overlay_start_1:
0x0: {  	(tag) =	ssettag $0x1  }
0x1: {  	s1 =	rddreg [dreg:$0x0]  }
0x2: {  	s0 =	srdreg.scid;
	s6 =	rddreg [dreg:$0x1]  }
0x3: {  	s3 =	rddreg [dreg:$0x2];
	s4 =	simm.s32 $0x0;
	s17 =	simm.s32 $0x1  }
0x4: {  	s18 =	simm.s32 $0x2900;
	s5 =	sand.u32 $0x1, s0;
	s0 =	stileid.u32  }
0x5: {  	s19 =	simm.s32 $0x2;
	s20 =	simm.s32 $0x6900;
	s8 =	smul.u32 $0x13C00, s0  }
0x6: {  	s21 =	simm.s32 $0x3;
	s22 =	simm.s32 $0x4;
	s9 =	smul.u32 $0x13C000, s5  }
0x7: {  	s23 =	simm.s32 $0x2800;
	s24 =	simm.s32 $0x2880;
	s14 =	smul.u32 $0x4F000, s0  }
0x8: {  	[smem:$0x7FF] =	sst s4;
	s10 =	sadd.s32 $0x2C00, s6;
	s26 =	smul.u32 $0x5000, s5  }
0x9: {  	s2 =	sshll.u32 s5, $0x4;
	s25 =	ssub.s32 $0x2, s5;
	s29 =	smul.u32 $0x500, s0  }
0xa: {  	s31 =	sshll.u32 s0, $0x6;
	s7 =	sor.u32 s0, s2;
	s2 =	rddreg [dreg:$0x3]  }
0xb: {  	_ =	strace $0x8000004A;
	s13 =	sshrl.u32 s25, $0x1;
	s7 =	smul.u32 $0x500, s7  }
0xc: {  	s12 =	sshrl.u32 s8, $0x3;
	s8 =	sadd.s32 s8, s9;
	s13 =	ssub.s32 s25, s13  }
0xd: {  	s28 =	sshrl.u32 s14, $0x2;
	s14 =	sor.u32 $0x1C05, s31;
	s25 =	simm.s32 $0x0  }
0xe: {  	s12 =	sadd.s32 s12, s6;
	s8 =	sshrl.u32 s8, $0x3;
	s16 =	sadd.s32 s28, s3  }
0xf: {  	s11 =	sadd.s32 s7, s6;
	s15 =	sadd.s32 s8, s6;
	s6 =	sadd.s32 s10, s7  }
0x10: {  	s10 =	sadd.s32 s26, s10;
	s7 =	sadd.s32 $0x17400, s12;
	s12 =	simm.s32 $0x100  }
0x11: {  	s5 =	sadd.s32 $0xCC00, s11;
	s8 =	sadd.s32 $0x10, s6;
	s30 =	sadd.s32 s29, s10  }
0x12: {  	s9 =	sadd.s32 $0x8DC00, s15;
	s10 =	smax.u32 s13, $0x1;
	s13 =	simm.s32 $0x5  }
0x13: {  	s15 =	sshrl.u32 s16, $0x3;
	s16 =	simm.s32 $0x80;
	s11 =	sadd.s32 $0x30, s30  }
.LBB2_1:
0x14: {  	[tilespmem:s12], [sflag:$0x5] =	stream.linear.gather [hbm4b:s5+s4], $0x2800, $0x38;
	[tilespmem:$0x1E500] =	vst v63  }
0x15: {  	_ =	swait.ge [sflag:s13], $0x2800  }
0x16: {  	[sflag:s13] =	ssyncset.done $0x0  }
0x17: {  	[sflag:s13] =	ssyncadd.s32 $0xFFFFD800  }
0x18: {  	[spmem:s15], [sflag:s14] =	dma.local [hbm:s7], $0x2780  }
0x19: {  	_ =	swait.ge [sflag:s13], $0x2780  }
0x1a: {  	[sflag:s13] =	ssyncset.done $0x0  }
0x1b: {  	[sflag:s13] =	ssyncadd.s32 $0xFFFFD880  }
0x1c: {  	[bflag:$0x0] =	sbarrier.arrive $0xFFFF  }
0x1d: {  	[tilespmem:s4], [sflag:$0x1] =	stream.linear.gather [hbm4b:s6+s4], $0x80, $0x38;
	[tilespmem:$0x1E500] =	vst v63  }
0x1e: {  	_ = 	snop  }
0x1f: {  	[tilespmem:s16], [sflag:$0x2] =	stream.linear.gather [hbm4b:s8+s4], $0x80, $0x38;
	[tilespmem:$0x1E500] =	vst v63  }
0x20: {  	_ =	swait.ge [sflag:s17], $0x80  }
0x21: {  	[sflag:s17] =	ssyncset.done $0x0  }
0x22: {  	[sflag:s17] =	ssyncadd.s32 $0xFFFFFF80  }
0x23: {  	[tilespmem:s18], [sflag:$0x3] =	stream.indirect.gather [hbm4b:s1+s16], $0x80, s4, s16, $0xb8;
	[tilespmem:$0x1E500] =	vst v63  }
0x24: {  	_ =	swait.ge [sflag:s19], $0x80  }
0x25: {  	[sflag:s19] =	ssyncset.done $0x0  }
0x26: {  	[sflag:s19] =	ssyncadd.s32 $0xFFFFFF80  }
0x27: {  	[tilespmem:s20], [sflag:$0x4] =	stream.indirect.gather [hbm4b:s1+s16], $0x80, s16, s16, $0xb8;
	[tilespmem:$0x1E500] =	vst v63  }
0x28: {  	_ =	swait.ge [sflag:s21], $0x4000  }
0x29: {  	[sflag:s21] =	ssyncset.done $0x0  }
0x2a: {  	s26 =	simm.s32 $0x100;
	[sflag:s21] =	ssyncadd.s32 $0xFFFFC000  }
0x2b: {  	[spmem:s3] =	stream.indirect.scatter.add.f32 [tilespmem:s18], [sflag:$0x5], $0x80, s26, s16, $0xb8;
	[tilespmem:$0x1E500] =	vst v63  }
0x2c: {  	_ =	swait.ge [sflag:s13], $0x4000  }
0x2d: {  	[sflag:s13] =	ssyncset.done $0x0  }
0x2e: {  	s30 =	sadd.s32 $0xFFFFFFF0, s11;
	[sflag:s13] =	ssyncadd.s32 $0xFFFFC000  }
0x2f: {  	[tilespmem:s4], [sflag:$0x1] =	stream.linear.gather [hbm4b:s30+s4], $0x80, $0x38;
	[tilespmem:$0x1E500] =	vst v63  }
0x30: {  	_ =	swait.ge [sflag:s17], $0x80  }
0x31: {  	[sflag:s17] =	ssyncset.done $0x0  }
0x32: {  	[sflag:s17] =	ssyncadd.s32 $0xFFFFFF80  }
0x33: {  	[tilespmem:s18], [sflag:$0x3] =	stream.indirect.gather [hbm4b:s1+s16], $0x80, s4, s16, $0xb8;
	[tilespmem:$0x1E500] =	vst v63  }
0x34: {  	_ =	swait.ge [sflag:s22], $0x4000  }
0x35: {  	[sflag:s22] =	ssyncset.done $0x0  }
0x36: {  	s31 =	simm.s32 $0x180;
	[sflag:s22] =	ssyncadd.s32 $0xFFFFC000  }
0x37: {  	[spmem:s3] =	stream.indirect.scatter.add.f32 [tilespmem:s20], [sflag:$0x5], $0x80, s31, s16, $0xb8;
	[tilespmem:$0x1E500] =	vst v63  }
0x38: {  	_ =	swait.ge [sflag:s13], $0x4000  }
0x39: {  	s28 =	sadd.s32 $0x20, s11;
	[sflag:s13] =	ssyncset.done $0x0  }
0x3a: {  	s29 =	smov.u32 s11;
	s26 =	simm.s32 $0x400;
	[sflag:s13] =	ssyncadd.s32 $0xFFFFC000  }
.LBB2_2:
0x3b: {  	[tilespmem:s16], [sflag:$0x2] =	stream.linear.gather [hbm4b:s29+s4], $0x80, $0x38;
	[tilespmem:$0x1E500] =	vst v63  }
0x3c: {  	s30 =	smov.u32 s26;
	s29 =	smov.u32 s28  }
0x3d: {  	p0 =	sne.s32 s26, $0x9800;
	s26 =	sadd.s32 $0x400, s26;
	_ =	swait.ge [sflag:s19], $0x80  }
0x3e: {  	[sflag:s19] =	ssyncset.done $0x0  }
0x3f: {  	[sflag:s19] =	ssyncadd.s32 $0xFFFFFF80  }
0x40: {  	[tilespmem:s20], [sflag:$0x4] =	stream.indirect.gather [hbm4b:s1+s16], $0x80, s16, s16, $0xb8;
	[tilespmem:$0x1E500] =	vst v63  }
0x41: {  	_ =	swait.ge [sflag:s21], $0x4000  }
0x42: {  	s30 =	sshra.s32 s30, $0x2;
	[sflag:s21] =	ssyncset.done $0x0  }
0x43: {  	s31 =	sadd.s32 $0x100, s30;
	[sflag:s21] =	ssyncadd.s32 $0xFFFFC000  }
0x44: {  	[spmem:s3] =	stream.indirect.scatter.add.f32 [tilespmem:s18], [sflag:$0x5], $0x80, s31, s16, $0xb8;
	[tilespmem:$0x1E500] =	vst v63  }
0x45: {  	_ =	swait.ge [sflag:s13], $0x4000  }
0x46: {  	[sflag:s13] =	ssyncset.done $0x0  }
0x47: {  	s31 =	sadd.s32 $0xFFFFFFF0, s28;
	[sflag:s13] =	ssyncadd.s32 $0xFFFFC000  }
0x48: {  	[tilespmem:s4], [sflag:$0x1] =	stream.linear.gather [hbm4b:s31+s4], $0x80, $0x38;
	[tilespmem:$0x1E500] =	vst v63  }
0x49: {  	_ =	swait.ge [sflag:s17], $0x80  }
0x4a: {  	[sflag:s17] =	ssyncset.done $0x0  }
0x4b: {  	[sflag:s17] =	ssyncadd.s32 $0xFFFFFF80  }
0x4c: {  	[tilespmem:s18], [sflag:$0x3] =	stream.indirect.gather [hbm4b:s1+s16], $0x80, s4, s16, $0xb8;
	[tilespmem:$0x1E500] =	vst v63  }
0x4d: {  	_ =	swait.ge [sflag:s22], $0x4000  }
0x4e: {  	[sflag:s22] =	ssyncset.done $0x0  }
.Ltmp0:
0x4f: {  	s30 =	sadd.s32 $0x180, s30;
	[sflag:s22] =	ssyncadd.s32 $0xFFFFC000;
	(pc) =	sbr.rel @p0 .LBB2_2-.Ltmp0, $4  }
0x50: {  	[spmem:s3] =	stream.indirect.scatter.add.f32 [tilespmem:s20], [sflag:$0x5], $0x80, s30, s16, $0xb8;
	[tilespmem:$0x1E500] =	vst v63  }
0x51: {  	_ =	swait.ge [sflag:s13], $0x4000  }
0x52: {  	[sflag:s13] =	ssyncset.done $0x0  }
0x53: {  	s28 =	sadd.s32 $0x20, s28;
	[sflag:s13] =	ssyncadd.s32 $0xFFFFC000  }
0x54: {  	[tilespmem:s16], [sflag:$0x2] =	stream.linear.gather [hbm4b:s29+s4], $0x80, $0x38;
	[tilespmem:$0x1E500] =	vst v63  }
0x55: {  	_ =	swait.ge [sflag:s19], $0x80  }
0x56: {  	[sflag:s19] =	ssyncset.done $0x0  }
0x57: {  	[sflag:s19] =	ssyncadd.s32 $0xFFFFFF80  }
0x58: {  	[tilespmem:s20], [sflag:$0x4] =	stream.indirect.gather [hbm4b:s1+s16], $0x80, s16, s16, $0xb8;
	[tilespmem:$0x1E500] =	vst v63  }
0x59: {  	_ =	swait.ge [sflag:s21], $0x4000  }
0x5a: {  	[sflag:s21] =	ssyncset.done $0x0  }
0x5b: {  	[sflag:s21] =	ssyncadd.s32 $0xFFFFC000  }
0x5c: {  	[spmem:s3] =	stream.indirect.scatter.add.f32 [tilespmem:s18], [sflag:$0x5], $0x80, s23, s16, $0xb8;
	[tilespmem:$0x1E500] =	vst v63  }
0x5d: {  	_ =	swait.ge [sflag:s13], $0x4000  }
0x5e: {  	[sflag:s13] =	ssyncset.done $0x0  }
0x5f: {  	[sflag:s13] =	ssyncadd.s32 $0xFFFFC000  }
0x60: {  	_ =	swait.ge [sflag:s22], $0x4000  }
0x61: {  	[sflag:s22] =	ssyncset.done $0x0  }
0x62: {  	[sflag:s22] =	ssyncadd.s32 $0xFFFFC000  }
0x63: {  	[spmem:s3] =	stream.indirect.scatter.add.f32 [tilespmem:s20], [sflag:$0x5], $0x80, s24, s16, $0xb8;
	[tilespmem:$0x1E500] =	vst v63  }
0x64: {  	_ =	swait.ge [sflag:s13], $0x4000  }
0x65: {  	s25 =	sadd.s32 $0x1, s25;
	[sflag:s13] =	ssyncset.done $0x0  }
0x66: {  	p0 =	sne.s32 s25, s10;
	[sflag:s13] =	ssyncadd.s32 $0xFFFFC000  }
.Ltmp1:
0x67: {  	[bflag:$0x0] =	sbarrier.arrive $0xFFFF;
	(pc) =	sbr.rel @p0 .LBB2_1-.Ltmp1, $4  }
0x68: {  	[hbm:s9], [sflag:s14] =	dma.local [spmem:s15], $0x2780  }
0x69: {  	_ =	swait.ge [sflag:s13], $0x2780  }
0x6a: {  	[sflag:s13] =	ssyncset.done $0x0  }
0x6b: {  	[sflag:s13] =	ssyncadd.s32 $0xFFFFD880  }
0x6c: {  	_ =	sfence.sel $0x180000  }
0x6d: {  	[bflag:$0x0] =	sbarrier.arrive $0xFFFF  }
0x6e: {  	p0 =	sne.s32 s0, $0x0;
	_ =	strace $0x9000004A  }
0x6f: {  	s0 =	sadd.s32 @!p0 $0x100000, s2;
	[bflag:$0x2] =	sbarrier.arrive $0xFFFF  }
0x70: {  	[sflag:s0] =	ssyncadd.tile.s32 @!p0 $0x1;
	_ =	shalt  }
.Lfunc_end2:
_tile_overlayer_lowered:
.L_overlay_start_2:
0x71: {  	(tag) =	ssettag $0x2  }
0x72: {  	s0 =	rddreg [dreg:$0x0];
	s2 =	stileid.u32  }
0x73: {  	s1 =	rddreg [dreg:$0x1];
	p0 =	sne.s32 s2, $0x0  }
0x74: {  	s3 =	rddreg [dreg:$0x2];
	[bflag:$0x3] =	sbarrier.arrive $0xFFFF;
	s2 =	simm.s32 @!p0 $0x1C05  }
0x75: {  	[timem:s3], [sflag:s2] =	dma.local @!p0 [hbm:s0], s1  }
0x76: {  	s0 =	simm.s32 @!p0 $0x5  }
0x77: {  	_ =	swait.ge @!p0 [sflag:s0], s1  }
0x78: {  	s1 =	ssub.s32 @!p0 $0x0, s1;
	[sflag:s0] =	ssyncset.done @!p0 $0x0  }
0x79: {  	[sflag:s0] =	ssyncadd.s32 @!p0 s1  }
0x7a: {  	[bflag:$0x3] =	sbarrier.arrive $0xFFFF  }
0x7b: {  	_ =	shalt  }

// kernel: kernel.15.cloned.1.call-start
scs
__scs_entry_jumppad:
0x0: {  	(pc) =	sbr.rel $0x88, $3  }
0x1: {  	(tag) =	ssettag $0x0;
	lr =	simm.s32 $0x1  }
0x2: {  	[smem:$0x3F99] =	sst lr;
	_ =	strace $0xD0000000  }
0x3: {  	_ = 	snop  }
0x4: {  	_ = 	snop  }
0x5: {  	_ = 	snop  }
0x6: {  	_ = 	snop  }
0x7: {  	_ = 	snop  }
__scs_overlays_trampoline_lowered:
0x8: {  	[smem:$0x3FA8] =	sst s0  }
0x9: {  	[smem:$0x3FA9] =	sst s1  }
0xa: {  	[smem:$0x3FAA] =	sst s2  }
0xb: {  	[smem:$0x3FAB] =	sst s3  }
0xc: {  	[smem:$0x3FAC] =	sst s4  }
0xd: {  	[smem:$0x3FAD] =	sst s5  }
0xe: {  	[smem:$0x3FAE] =	sst s6  }
0xf: {  	[smem:$0x3FAF] =	sst s7  }
0x10: {  	[smem:$0x3FB0] =	sst s8  }
0x11: {  	[smem:$0x3FB1] =	sst s9;
	s0 =	simm.s32 @!p0 $0x0  }
0x12: {  	s1 =	sld [smem:$0x3F97];
	s0 =	simm.s32 @p0 $0x1  }
0x13: {  	[smem:$0x3FB2] =	sst s0;
	s0 =	simm.s32 @!p1 $0x0  }
0x14: {  	s2 =	sld [smem:$0x3F96];
	s0 =	simm.s32 @p1 $0x1  }
0x15: {  	[smem:$0x3FB3] =	sst s0;
	s0 =	simm.s32 @!p2 $0x0  }
0x16: {  	s3 =	sld [smem:$0x3FDB];
	s0 =	simm.s32 @p2 $0x1  }
0x17: {  	s4 =	simm.s32 $0x1BF5;
	[smem:$0x3FB5] =	sst s0  }
0x18: {  	s0 =	sld [smem:$0x3F98];
	_ =	swait.ge [sflag:s4], $0x0  }
0x19: {  	s7 =	sld [smem:$0x3F99]  }
0x1a: {  	s8 =	sadd.s32 $0xFFFFE003, lr  }
0x1b: {  	s9 =	sadd.s32 $0xFFFFFEF7, lr;
	s5 =	simm.s32 $0xFFFFFFFF;
	p2 =	slt.u32 s8, $0xFFFFF086  }
0x1c: {  	p1 =	slt.u32 s9, $0xF7A;
	s5 =	simm.s32 @!p2 $0x0  }
0x1d: {  	s5 =	simm.s32 @p1 $0x1;
	p0 =	seq.s32 s7, s2  }
0x1e: {  	s7 =	smul.u32 @!p0 $0xF7A, s2;
	p2 =	seq.s32 @!p0 s5, $0x0  }
0x1f: {  	s9 =	smul.u32 $0xF7A, s1;
	s8 =	simm.s32 @!p0 $0x1BF5;
	p2 =	por !p2, p0  }
0x20: {  	[sflag:s8] =	ssyncset.s32 @!p0 $0xFFFFF086;
	s6 =	sadd.s32 @!p0 s3, s7;
	s7 =	simm.s32 @!p0 $0x108  }
0x21: {  	s3 =	sadd.s32 s3, s9;
	s6 =	sadd.s32 @!p0 $0x88, s6;
	s7 =	simm.s32 @p2 $0x1082  }
0x22: {  	[simem:s7], [sflag:s8] =	dma.local @!p0 [hbm:s6], $0xF7A  }
0x23: {  	s9 =	sor.u32 $0xD0000000, s2;
	s6 =	simm.s32 $0x108;
	_ =	swait.ge @!p0 [sflag:s8], $0x0  }
0x24: {  	s3 =	sadd.s32 $0x88, s3;
	s6 =	simm.s32 @!p1 $0x1082;
	[sflag:s4] =	ssyncset.s32 $0xFFFFF086  }
0x25: {  	[simem:s6], [sflag:s4] =	dma.local [hbm:s3], $0xF7A  }
0x26: {  	[smem:$0x3F99] =	sst s1;
	(tag) =	ssettag s2;
	_ =	strace s9  }
0x27: {  	s1 =	sld [smem:$0x3FA9]  }
0x28: {  	s2 =	sld [smem:$0x3FAA]  }
0x29: {  	s4 =	sld [smem:$0x3FAC]  }
0x2a: {  	p0 =	seq.s32 s5, $0x0;
	s5 =	sld [smem:$0x3FAD]  }
0x2b: {  	s6 =	sld [smem:$0x3FAE]  }
0x2c: {  	s7 =	sld [smem:$0x3FAF]  }
0x2d: {  	s3 =	simm.s32 $0x108;
	s8 =	sld [smem:$0x3FB0]  }
0x2e: {  	s3 =	simm.s32 @!p0 $0x1082;
	s9 =	sld [smem:$0x3FB1]  }
0x2f: {  	lr =	sadd.s32 s0, s3;
	s0 =	sld [smem:$0x3FA8]  }
0x30: {  	s3 =	sld [smem:$0x3FAB]  }
0x31: {  	[smem:$0x3FB4] =	sst s10  }
0x32: {  	s10 =	sld [smem:$0x3FB2];
	_ =	sdelay $0x3  }
0x33: {  	p0 =	seq.s32 s10, $0x1;
	s10 =	sld [smem:$0x3FB4];
	_ =	sdelay $0x3  }
0x34: {  	[smem:$0x3FB4] =	sst s10  }
0x35: {  	s10 =	sld [smem:$0x3FB3];
	_ =	sdelay $0x3  }
0x36: {  	p1 =	seq.s32 s10, $0x1;
	s10 =	sld [smem:$0x3FB4];
	_ =	sdelay $0x3  }
0x37: {  	[smem:$0x3FB4] =	sst s10  }
0x38: {  	s10 =	sld [smem:$0x3FB5]  }
0x39: {  	_ = 	snop;
	(pc) =	sbr.ind lr, $3  }
0x3a: {  	_ = 	snop  }
0x3b: {  	_ = 	snop  }
0x3c: {  	p2 =	seq.s32 s10, $0x1;
	s10 =	sld [smem:$0x3FB4]  }
0x3d: {  	_ =	shalt  }
0x3e: {  	_ =	shalt  }
0x3f: {  	_ =	shalt  }
0x40: {  	_ =	shalt  }
0x41: {  	_ =	shalt  }
0x42: {  	_ =	shalt  }
0x43: {  	_ =	shalt  }
0x44: {  	_ =	shalt  }
0x45: {  	_ =	shalt  }
0x46: {  	_ =	shalt  }
0x47: {  	_ =	shalt  }
0x48: {  	_ =	shalt  }
0x49: {  	_ =	shalt  }
0x4a: {  	_ =	shalt  }
0x4b: {  	_ =	shalt  }
0x4c: {  	_ =	shalt  }
0x4d: {  	_ =	shalt  }
0x4e: {  	_ =	shalt  }
0x4f: {  	_ =	shalt  }
0x50: {  	_ =	shalt  }
0x51: {  	_ =	shalt  }
0x52: {  	_ =	shalt  }
0x53: {  	_ =	shalt  }
0x54: {  	_ =	shalt  }
0x55: {  	_ =	shalt  }
0x56: {  	_ =	shalt  }
0x57: {  	_ =	shalt  }
0x58: {  	_ =	shalt  }
0x59: {  	_ =	shalt  }
0x5a: {  	_ =	shalt  }
0x5b: {  	_ =	shalt  }
0x5c: {  	_ =	shalt  }
0x5d: {  	_ =	shalt  }
0x5e: {  	_ =	shalt  }
0x5f: {  	_ =	shalt  }
0x60: {  	_ =	shalt  }
0x61: {  	_ =	shalt  }
0x62: {  	_ =	shalt  }
0x63: {  	_ =	shalt  }
0x64: {  	_ =	shalt  }
0x65: {  	_ =	shalt  }
0x66: {  	_ =	shalt  }
0x67: {  	_ =	shalt  }
0x68: {  	_ =	shalt  }
0x69: {  	_ =	shalt  }
0x6a: {  	_ =	shalt  }
0x6b: {  	_ =	shalt  }
0x6c: {  	_ =	shalt  }
0x6d: {  	_ =	shalt  }
0x6e: {  	_ =	shalt  }
0x6f: {  	_ =	shalt  }
0x70: {  	_ =	shalt  }
0x71: {  	_ =	shalt  }
0x72: {  	_ =	shalt  }
0x73: {  	_ =	shalt  }
0x74: {  	_ =	shalt  }
0x75: {  	_ =	shalt  }
0x76: {  	_ =	shalt  }
0x77: {  	_ =	shalt  }
0x78: {  	_ =	shalt  }
0x79: {  	_ =	shalt  }
0x7a: {  	_ =	shalt  }
0x7b: {  	_ =	shalt  }
0x7c: {  	_ =	shalt  }
0x7d: {  	_ =	shalt  }
0x7e: {  	_ =	shalt  }
0x7f: {  	_ =	shalt  }
0x80: {  	_ =	shalt  }
0x81: {  	_ =	shalt  }
0x82: {  	_ =	shalt  }
0x83: {  	_ =	shalt  }
0x84: {  	_ =	shalt  }
0x85: {  	_ =	shalt  }
0x86: {  	_ =	shalt  }
0x87: {  	_ =	shalt  }
.Lfunc_end0:
.L_simem_size_0:
called_computation.2_lowered:
.L_overlay_start_0:
0x88: {  	s2 =	sld [smem:$0x3FD9]  }
0x89: {  	s3 =	sld [smem:$0x3FFE];
	_ =	sdelay $0x1  }
0x8a: {  	s1 =	srdreg.scid  }
0x8b: {  	s0 =	sand.u32 $0x1, s1  }
0x8c: {  	s17 =	sshll.u32 s0, $0xA;
	s2 =	sadd.s32 s3, s2  }
0x8d: {  	s2 =	sadd.s32 s2, s17  }
0x8e: {  	[smem:$0x3FC0] =	sst s2  }
0x8f: {  	_ = 	snop  }
0x90: {  	s2 =	sld [smem:$0x3FD0];
	(tm) =	ssettm $0x1  }
0x91: {  	s18 =	sld [smem:$0x3FFB];
	_ =	sdelay $0x3  }
0x92: {  	_ =	strace s18  }
0x93: {  	s3 =	sld [smem:$0x3FFC];
	_ =	sdelay $0x3  }
0x94: {  	_ =	strace s3  }
0x95: {  	s3 =	sld [smem:$0x3FFD];
	_ =	sdelay $0x3  }
0x96: {  	_ =	strace s3  }
0x97: {  	_ =	strace $0x8FFFFFFF  }
0x98: {  	s19 =	sld [smem:$0x3FDB];
	_ =	sdelay $0x1  }
0x99: {  	s4 =	simm.s32 $_scs_section_size  }
0x9a: {  	s5 =	simm.s32 $_size__tile_overlayer_lowered;
	s6 =	simm.s32 $_tile_overlayer_lowered  }
0x9b: {  	s22 =	simm.s32 $0x1BFF;
	s21 =	sshll.u32 s6, $0x1;
	s3 =	sadd.s32 s4, s19  }
0x9c: {  	s7 =	simm.s32 $0x0;
	s20 =	sshll.u32 s5, $0x1;
	s5 =	sadd.s32 s21, s3  }
0x9d: {  	[timem:s7], [sflag:s22] =	dma.local [hbm:s5], s20  }
0x9e: {  	_ =	swait.ge [sflag:s22], s20  }
0x9f: {  	s4 =	ssub.s32 $0x0, s20;
	[sflag:s22] =	ssyncset.done $0x0  }
0xa0: {  	[sflag:s22] =	ssyncadd.s32 s4;
	_ =	sdelay $0x1  }
0xa1: {  	s23 =	simm.s32 $0x1B8B  }
0xa2: {  	_ =	swait.ge [sflag:s23], $0x1  }
0xa3: {  	[sflag:s23] =	ssyncset.done $0x0  }
0xa4: {  	s25 =	simm.s32 $0x1B8E;
	s24 =	sld [smem:$0x3FFE];
	[sflag:s23] =	ssyncadd.s32 $0xFFFFFFFF  }
0xa5: {  	s26 =	simm.s32 $execute0_lowered;
	[smem:$0x3FD2] =	sst s25  }
0xa6: {  	s5 =	sshll.u32 s26, $0x1;
	_ =	strace $0x8000004C;
	[dreg:$0x1] =	wrdreg $0xFFFFFFFF  }
0xa7: {  	s28 =	simm.s32 $_size_execute0_lowered;
	s3 =	sadd.s32 s3, s5;
	[dreg:$0x0] =	wrdreg $0x0  }
0xa8: {  	s5 =	sshll.u32 s28, $0x1;
	[dreg:$0x2] =	wrdreg s3  }
0xa9: {  	[dreg:$0x3] =	wrdreg s5  }
0xaa: {  	[dreg:$0x4] =	wrdreg $0xC0  }
0xab: {  	_ =	task [dreg:s7], $0x5FFFF  }
0xac: {  	[dreg:$0x1] =	wrdreg $0xFFFFFFFF  }
0xad: {  	[dreg:$0x0] =	wrdreg $0x60  }
0xae: {  	[dreg:$0x2] =	wrdreg s2  }
0xaf: {  	[dreg:$0x3] =	wrdreg s24  }
0xb0: {  	[dreg:$0x4] =	wrdreg $0xA9000  }
0xb1: {  	[dreg:$0x5] =	wrdreg $0x9  }
0xb2: {  	_ =	task.clear_ibuf [dreg:s7], $0x6FFFF;
	_ =	strace $0x9000004C  }
0xb3: {  	s29 =	simm.s32 $0x9;
	_ =	strace $0x8000004E  }
0xb4: {  	_ =	swait.ge [sflag:s29], $0x1  }
0xb5: {  	[sflag:s29] =	ssyncadd.s32 $0xFFFFFFFF  }
0xb6: {  	_ =	strace $0x9000004E  }
0xb7: {  	_ =	sfence  }
0xb8: {  	s30 =	sld [smem:$0x0];
	_ =	sdelay $0x2  }
0xb9: {  	s31 =	sshll.u32 s1, $0xD;
	s1 =	sshrl.u32 s1, $0x2  }
0xba: {  	s3 =	sand.u32 $0x4000, s31;
	s1 =	sadd.s32 s1, s30  }
0xbb: {  	s0 =	sor.u32 s3, s0;
	s1 =	sshll.u32 s1, $0x11  }
0xbc: {  	s0 =	sor.u32 s1, s0  }
0xbd: {  	s0 =	sadd.s32 $0x8F2B, s0  }
0xbe: {  	[sflag:s0] =	ssyncadd.remote.s32 $0x1  }
0xbf: {  	_ =	sfence.sel $0xFFFF  }
0xc0: {  	[dreg:$0x0] =	wrdreg $0xFFFFFFFF;
	(pc) =	sbr.abs _section_cstart, $3  }
0xc1: {  	[dreg:$0x1] =	wrdreg $0xFFFFFFFF  }
0xc2: {  	_ =	task.clear_ibuf [dreg:s7], $0x2FFFF;
	_ =	strace $0x9FFFFFFF  }
0xc3: {  	(tm) =	ssettm $0x7FFFFFFF  }
tec
execute0_lowered:
.L_overlay_start_1:
0x0: {  	(tag) =	ssettag $0x1  }
0x1: {  	s1 =	rddreg [dreg:$0x0]  }
0x2: {  	s0 =	srdreg.scid;
	s6 =	rddreg [dreg:$0x1]  }
0x3: {  	s3 =	rddreg [dreg:$0x2];
	s4 =	simm.s32 $0x0;
	s17 =	simm.s32 $0x1  }
0x4: {  	s18 =	simm.s32 $0x2900;
	s5 =	sand.u32 $0x1, s0;
	s0 =	stileid.u32  }
0x5: {  	s19 =	simm.s32 $0x2;
	s20 =	simm.s32 $0x6900;
	s8 =	smul.u32 $0x13C00, s0  }
0x6: {  	s21 =	simm.s32 $0x3;
	s22 =	simm.s32 $0x4;
	s9 =	smul.u32 $0x13C000, s5  }
0x7: {  	s23 =	simm.s32 $0x2800;
	s24 =	simm.s32 $0x2880;
	s14 =	smul.u32 $0x4F000, s0  }
0x8: {  	[smem:$0x7FF] =	sst s4;
	s10 =	sadd.s32 $0x2C00, s6;
	s26 =	smul.u32 $0x5000, s5  }
0x9: {  	s2 =	sshll.u32 s5, $0x4;
	s25 =	ssub.s32 $0x2, s5;
	s29 =	smul.u32 $0x500, s0  }
0xa: {  	s31 =	sshll.u32 s0, $0x6;
	s7 =	sor.u32 s0, s2;
	s2 =	rddreg [dreg:$0x3]  }
0xb: {  	_ =	strace $0x8000004D;
	s13 =	sshrl.u32 s25, $0x1;
	s7 =	smul.u32 $0x500, s7  }
0xc: {  	s12 =	sshrl.u32 s8, $0x3;
	s8 =	sadd.s32 s8, s9;
	s13 =	ssub.s32 s25, s13  }
0xd: {  	s28 =	sshrl.u32 s14, $0x2;
	s14 =	sor.u32 $0x1C05, s31;
	s25 =	simm.s32 $0x0  }
0xe: {  	s12 =	sadd.s32 s12, s6;
	s8 =	sshrl.u32 s8, $0x3;
	s16 =	sadd.s32 s28, s3  }
0xf: {  	s11 =	sadd.s32 s7, s6;
	s15 =	sadd.s32 s8, s6;
	s6 =	sadd.s32 s10, s7  }
0x10: {  	s10 =	sadd.s32 s26, s10;
	s7 =	sadd.s32 $0x17400, s12;
	s12 =	simm.s32 $0x100  }
0x11: {  	s5 =	sadd.s32 $0xCC00, s11;
	s8 =	sadd.s32 $0x10, s6;
	s30 =	sadd.s32 s29, s10  }
0x12: {  	s9 =	sadd.s32 $0x3EC00, s15;
	s10 =	smax.u32 s13, $0x1;
	s13 =	simm.s32 $0x5  }
0x13: {  	s15 =	sshrl.u32 s16, $0x3;
	s16 =	simm.s32 $0x80;
	s11 =	sadd.s32 $0x30, s30  }
.LBB2_1:
0x14: {  	[tilespmem:s12], [sflag:$0x5] =	stream.linear.gather [hbm4b:s5+s4], $0x2800, $0x38;
	[tilespmem:$0x1E500] =	vst v63  }
0x15: {  	_ =	swait.ge [sflag:s13], $0x2800  }
0x16: {  	[sflag:s13] =	ssyncset.done $0x0  }
0x17: {  	[sflag:s13] =	ssyncadd.s32 $0xFFFFD800  }
0x18: {  	[spmem:s15], [sflag:s14] =	dma.local [hbm:s7], $0x2780  }
0x19: {  	_ =	swait.ge [sflag:s13], $0x2780  }
0x1a: {  	[sflag:s13] =	ssyncset.done $0x0  }
0x1b: {  	[sflag:s13] =	ssyncadd.s32 $0xFFFFD880  }
0x1c: {  	[bflag:$0x0] =	sbarrier.arrive $0xFFFF  }
0x1d: {  	[tilespmem:s4], [sflag:$0x1] =	stream.linear.gather [hbm4b:s6+s4], $0x80, $0x38;
	[tilespmem:$0x1E500] =	vst v63  }
0x1e: {  	_ = 	snop  }
0x1f: {  	[tilespmem:s16], [sflag:$0x2] =	stream.linear.gather [hbm4b:s8+s4], $0x80, $0x38;
	[tilespmem:$0x1E500] =	vst v63  }
0x20: {  	_ =	swait.ge [sflag:s17], $0x80  }
0x21: {  	[sflag:s17] =	ssyncset.done $0x0  }
0x22: {  	[sflag:s17] =	ssyncadd.s32 $0xFFFFFF80  }
0x23: {  	[tilespmem:s18], [sflag:$0x3] =	stream.indirect.gather [hbm4b:s1+s16], $0x80, s4, s16, $0xb8;
	[tilespmem:$0x1E500] =	vst v63  }
0x24: {  	_ =	swait.ge [sflag:s19], $0x80  }
0x25: {  	[sflag:s19] =	ssyncset.done $0x0  }
0x26: {  	[sflag:s19] =	ssyncadd.s32 $0xFFFFFF80  }
0x27: {  	[tilespmem:s20], [sflag:$0x4] =	stream.indirect.gather [hbm4b:s1+s16], $0x80, s16, s16, $0xb8;
	[tilespmem:$0x1E500] =	vst v63  }
0x28: {  	_ =	swait.ge [sflag:s21], $0x4000  }
0x29: {  	[sflag:s21] =	ssyncset.done $0x0  }
0x2a: {  	s26 =	simm.s32 $0x100;
	[sflag:s21] =	ssyncadd.s32 $0xFFFFC000  }
0x2b: {  	[spmem:s3] =	stream.indirect.scatter.add.f32 [tilespmem:s18], [sflag:$0x5], $0x80, s26, s16, $0xb8;
	[tilespmem:$0x1E500] =	vst v63  }
0x2c: {  	_ =	swait.ge [sflag:s13], $0x4000  }
0x2d: {  	[sflag:s13] =	ssyncset.done $0x0  }
0x2e: {  	s30 =	sadd.s32 $0xFFFFFFF0, s11;
	[sflag:s13] =	ssyncadd.s32 $0xFFFFC000  }
0x2f: {  	[tilespmem:s4], [sflag:$0x1] =	stream.linear.gather [hbm4b:s30+s4], $0x80, $0x38;
	[tilespmem:$0x1E500] =	vst v63  }
0x30: {  	_ =	swait.ge [sflag:s17], $0x80  }
0x31: {  	[sflag:s17] =	ssyncset.done $0x0  }
0x32: {  	[sflag:s17] =	ssyncadd.s32 $0xFFFFFF80  }
0x33: {  	[tilespmem:s18], [sflag:$0x3] =	stream.indirect.gather [hbm4b:s1+s16], $0x80, s4, s16, $0xb8;
	[tilespmem:$0x1E500] =	vst v63  }
0x34: {  	_ =	swait.ge [sflag:s22], $0x4000  }
0x35: {  	[sflag:s22] =	ssyncset.done $0x0  }
0x36: {  	s31 =	simm.s32 $0x180;
	[sflag:s22] =	ssyncadd.s32 $0xFFFFC000  }
0x37: {  	[spmem:s3] =	stream.indirect.scatter.add.f32 [tilespmem:s20], [sflag:$0x5], $0x80, s31, s16, $0xb8;
	[tilespmem:$0x1E500] =	vst v63  }
0x38: {  	_ =	swait.ge [sflag:s13], $0x4000  }
0x39: {  	s28 =	sadd.s32 $0x20, s11;
	[sflag:s13] =	ssyncset.done $0x0  }
0x3a: {  	s29 =	smov.u32 s11;
	s26 =	simm.s32 $0x400;
	[sflag:s13] =	ssyncadd.s32 $0xFFFFC000  }
.LBB2_2:
0x3b: {  	[tilespmem:s16], [sflag:$0x2] =	stream.linear.gather [hbm4b:s29+s4], $0x80, $0x38;
	[tilespmem:$0x1E500] =	vst v63  }
0x3c: {  	s30 =	smov.u32 s26;
	s29 =	smov.u32 s28  }
0x3d: {  	p0 =	sne.s32 s26, $0x9800;
	s26 =	sadd.s32 $0x400, s26;
	_ =	swait.ge [sflag:s19], $0x80  }
0x3e: {  	[sflag:s19] =	ssyncset.done $0x0  }
0x3f: {  	[sflag:s19] =	ssyncadd.s32 $0xFFFFFF80  }
0x40: {  	[tilespmem:s20], [sflag:$0x4] =	stream.indirect.gather [hbm4b:s1+s16], $0x80, s16, s16, $0xb8;
	[tilespmem:$0x1E500] =	vst v63  }
0x41: {  	_ =	swait.ge [sflag:s21], $0x4000  }
0x42: {  	s30 =	sshra.s32 s30, $0x2;
	[sflag:s21] =	ssyncset.done $0x0  }
0x43: {  	s31 =	sadd.s32 $0x100, s30;
	[sflag:s21] =	ssyncadd.s32 $0xFFFFC000  }
0x44: {  	[spmem:s3] =	stream.indirect.scatter.add.f32 [tilespmem:s18], [sflag:$0x5], $0x80, s31, s16, $0xb8;
	[tilespmem:$0x1E500] =	vst v63  }
0x45: {  	_ =	swait.ge [sflag:s13], $0x4000  }
0x46: {  	[sflag:s13] =	ssyncset.done $0x0  }
0x47: {  	s31 =	sadd.s32 $0xFFFFFFF0, s28;
	[sflag:s13] =	ssyncadd.s32 $0xFFFFC000  }
0x48: {  	[tilespmem:s4], [sflag:$0x1] =	stream.linear.gather [hbm4b:s31+s4], $0x80, $0x38;
	[tilespmem:$0x1E500] =	vst v63  }
0x49: {  	_ =	swait.ge [sflag:s17], $0x80  }
0x4a: {  	[sflag:s17] =	ssyncset.done $0x0  }
0x4b: {  	[sflag:s17] =	ssyncadd.s32 $0xFFFFFF80  }
0x4c: {  	[tilespmem:s18], [sflag:$0x3] =	stream.indirect.gather [hbm4b:s1+s16], $0x80, s4, s16, $0xb8;
	[tilespmem:$0x1E500] =	vst v63  }
0x4d: {  	_ =	swait.ge [sflag:s22], $0x4000  }
0x4e: {  	[sflag:s22] =	ssyncset.done $0x0  }
.Ltmp0:
0x4f: {  	s30 =	sadd.s32 $0x180, s30;
	[sflag:s22] =	ssyncadd.s32 $0xFFFFC000;
	(pc) =	sbr.rel @p0 .LBB2_2-.Ltmp0, $4  }
0x50: {  	[spmem:s3] =	stream.indirect.scatter.add.f32 [tilespmem:s20], [sflag:$0x5], $0x80, s30, s16, $0xb8;
	[tilespmem:$0x1E500] =	vst v63  }
0x51: {  	_ =	swait.ge [sflag:s13], $0x4000  }
0x52: {  	[sflag:s13] =	ssyncset.done $0x0  }
0x53: {  	s28 =	sadd.s32 $0x20, s28;
	[sflag:s13] =	ssyncadd.s32 $0xFFFFC000  }
0x54: {  	[tilespmem:s16], [sflag:$0x2] =	stream.linear.gather [hbm4b:s29+s4], $0x80, $0x38;
	[tilespmem:$0x1E500] =	vst v63  }
0x55: {  	_ =	swait.ge [sflag:s19], $0x80  }
0x56: {  	[sflag:s19] =	ssyncset.done $0x0  }
0x57: {  	[sflag:s19] =	ssyncadd.s32 $0xFFFFFF80  }
0x58: {  	[tilespmem:s20], [sflag:$0x4] =	stream.indirect.gather [hbm4b:s1+s16], $0x80, s16, s16, $0xb8;
	[tilespmem:$0x1E500] =	vst v63  }
0x59: {  	_ =	swait.ge [sflag:s21], $0x4000  }
0x5a: {  	[sflag:s21] =	ssyncset.done $0x0  }
0x5b: {  	[sflag:s21] =	ssyncadd.s32 $0xFFFFC000  }
0x5c: {  	[spmem:s3] =	stream.indirect.scatter.add.f32 [tilespmem:s18], [sflag:$0x5], $0x80, s23, s16, $0xb8;
	[tilespmem:$0x1E500] =	vst v63  }
0x5d: {  	_ =	swait.ge [sflag:s13], $0x4000  }
0x5e: {  	[sflag:s13] =	ssyncset.done $0x0  }
0x5f: {  	[sflag:s13] =	ssyncadd.s32 $0xFFFFC000  }
0x60: {  	_ =	swait.ge [sflag:s22], $0x4000  }
0x61: {  	[sflag:s22] =	ssyncset.done $0x0  }
0x62: {  	[sflag:s22] =	ssyncadd.s32 $0xFFFFC000  }
0x63: {  	[spmem:s3] =	stream.indirect.scatter.add.f32 [tilespmem:s20], [sflag:$0x5], $0x80, s24, s16, $0xb8;
	[tilespmem:$0x1E500] =	vst v63  }
0x64: {  	_ =	swait.ge [sflag:s13], $0x4000  }
0x65: {  	s25 =	sadd.s32 $0x1, s25;
	[sflag:s13] =	ssyncset.done $0x0  }
0x66: {  	p0 =	sne.s32 s25, s10;
	[sflag:s13] =	ssyncadd.s32 $0xFFFFC000  }
.Ltmp1:
0x67: {  	[bflag:$0x0] =	sbarrier.arrive $0xFFFF;
	(pc) =	sbr.rel @p0 .LBB2_1-.Ltmp1, $4  }
0x68: {  	[hbm:s9], [sflag:s14] =	dma.local [spmem:s15], $0x2780  }
0x69: {  	_ =	swait.ge [sflag:s13], $0x2780  }
0x6a: {  	[sflag:s13] =	ssyncset.done $0x0  }
0x6b: {  	[sflag:s13] =	ssyncadd.s32 $0xFFFFD880  }
0x6c: {  	_ =	sfence.sel $0x180000  }
0x6d: {  	[bflag:$0x0] =	sbarrier.arrive $0xFFFF  }
0x6e: {  	p0 =	sne.s32 s0, $0x0;
	_ =	strace $0x9000004D  }
0x6f: {  	s0 =	sadd.s32 @!p0 $0x100000, s2;
	[bflag:$0x2] =	sbarrier.arrive $0xFFFF  }
0x70: {  	[sflag:s0] =	ssyncadd.tile.s32 @!p0 $0x1;
	_ =	shalt  }
.Lfunc_end2:
_tile_overlayer_lowered:
.L_overlay_start_2:
0x71: {  	(tag) =	ssettag $0x2  }
0x72: {  	s0 =	rddreg [dreg:$0x0];
	s2 =	stileid.u32  }
0x73: {  	s1 =	rddreg [dreg:$0x1];
	p0 =	sne.s32 s2, $0x0  }
0x74: {  	s3 =	rddreg [dreg:$0x2];
	[bflag:$0x3] =	sbarrier.arrive $0xFFFF;
	s2 =	simm.s32 @!p0 $0x1C05  }
0x75: {  	[timem:s3], [sflag:s2] =	dma.local @!p0 [hbm:s0], s1  }
0x76: {  	s0 =	simm.s32 @!p0 $0x5  }
0x77: {  	_ =	swait.ge @!p0 [sflag:s0], s1  }
0x78: {  	s1 =	ssub.s32 @!p0 $0x0, s1;
	[sflag:s0] =	ssyncset.done @!p0 $0x0  }
0x79: {  	[sflag:s0] =	ssyncadd.s32 @!p0 s1  }
0x7a: {  	[bflag:$0x3] =	sbarrier.arrive $0xFFFF  }
0x7b: {  	_ =	shalt  }

// kernel: kernel.9.cloned.1.call-start
scs
__scs_entry_jumppad:
0x0: {  	(pc) =	sbr.rel $0x88, $3  }
0x1: {  	(tag) =	ssettag $0x0;
	lr =	simm.s32 $0x1  }
0x2: {  	[smem:$0x3F99] =	sst lr;
	_ =	strace $0xD0000000  }
0x3: {  	_ = 	snop  }
0x4: {  	_ = 	snop  }
0x5: {  	_ = 	snop  }
0x6: {  	_ = 	snop  }
0x7: {  	_ = 	snop  }
__scs_overlays_trampoline_lowered:
0x8: {  	[smem:$0x3FA8] =	sst s0  }
0x9: {  	[smem:$0x3FA9] =	sst s1  }
0xa: {  	[smem:$0x3FAA] =	sst s2  }
0xb: {  	[smem:$0x3FAB] =	sst s3  }
0xc: {  	[smem:$0x3FAC] =	sst s4  }
0xd: {  	[smem:$0x3FAD] =	sst s5  }
0xe: {  	[smem:$0x3FAE] =	sst s6  }
0xf: {  	[smem:$0x3FAF] =	sst s7  }
0x10: {  	[smem:$0x3FB0] =	sst s8  }
0x11: {  	[smem:$0x3FB1] =	sst s9;
	s0 =	simm.s32 @!p0 $0x0  }
0x12: {  	s1 =	sld [smem:$0x3F97];
	s0 =	simm.s32 @p0 $0x1  }
0x13: {  	[smem:$0x3FB2] =	sst s0;
	s0 =	simm.s32 @!p1 $0x0  }
0x14: {  	s2 =	sld [smem:$0x3F96];
	s0 =	simm.s32 @p1 $0x1  }
0x15: {  	[smem:$0x3FB3] =	sst s0;
	s0 =	simm.s32 @!p2 $0x0  }
0x16: {  	s3 =	sld [smem:$0x3FDB];
	s0 =	simm.s32 @p2 $0x1  }
0x17: {  	s4 =	simm.s32 $0x1BF5;
	[smem:$0x3FB5] =	sst s0  }
0x18: {  	s0 =	sld [smem:$0x3F98];
	_ =	swait.ge [sflag:s4], $0x0  }
0x19: {  	s7 =	sld [smem:$0x3F99]  }
0x1a: {  	s8 =	sadd.s32 $0xFFFFE003, lr  }
0x1b: {  	s9 =	sadd.s32 $0xFFFFFEF7, lr;
	s5 =	simm.s32 $0xFFFFFFFF;
	p2 =	slt.u32 s8, $0xFFFFF086  }
0x1c: {  	p1 =	slt.u32 s9, $0xF7A;
	s5 =	simm.s32 @!p2 $0x0  }
0x1d: {  	s5 =	simm.s32 @p1 $0x1;
	p0 =	seq.s32 s7, s2  }
0x1e: {  	s7 =	smul.u32 @!p0 $0xF7A, s2;
	p2 =	seq.s32 @!p0 s5, $0x0  }
0x1f: {  	s9 =	smul.u32 $0xF7A, s1;
	s8 =	simm.s32 @!p0 $0x1BF5;
	p2 =	por !p2, p0  }
0x20: {  	[sflag:s8] =	ssyncset.s32 @!p0 $0xFFFFF086;
	s6 =	sadd.s32 @!p0 s3, s7;
	s7 =	simm.s32 @!p0 $0x108  }
0x21: {  	s3 =	sadd.s32 s3, s9;
	s6 =	sadd.s32 @!p0 $0x88, s6;
	s7 =	simm.s32 @p2 $0x1082  }
0x22: {  	[simem:s7], [sflag:s8] =	dma.local @!p0 [hbm:s6], $0xF7A  }
0x23: {  	s9 =	sor.u32 $0xD0000000, s2;
	s6 =	simm.s32 $0x108;
	_ =	swait.ge @!p0 [sflag:s8], $0x0  }
0x24: {  	s3 =	sadd.s32 $0x88, s3;
	s6 =	simm.s32 @!p1 $0x1082;
	[sflag:s4] =	ssyncset.s32 $0xFFFFF086  }
0x25: {  	[simem:s6], [sflag:s4] =	dma.local [hbm:s3], $0xF7A  }
0x26: {  	[smem:$0x3F99] =	sst s1;
	(tag) =	ssettag s2;
	_ =	strace s9  }
0x27: {  	s1 =	sld [smem:$0x3FA9]  }
0x28: {  	s2 =	sld [smem:$0x3FAA]  }
0x29: {  	s4 =	sld [smem:$0x3FAC]  }
0x2a: {  	p0 =	seq.s32 s5, $0x0;
	s5 =	sld [smem:$0x3FAD]  }
0x2b: {  	s6 =	sld [smem:$0x3FAE]  }
0x2c: {  	s7 =	sld [smem:$0x3FAF]  }
0x2d: {  	s3 =	simm.s32 $0x108;
	s8 =	sld [smem:$0x3FB0]  }
0x2e: {  	s3 =	simm.s32 @!p0 $0x1082;
	s9 =	sld [smem:$0x3FB1]  }
0x2f: {  	lr =	sadd.s32 s0, s3;
	s0 =	sld [smem:$0x3FA8]  }
0x30: {  	s3 =	sld [smem:$0x3FAB]  }
0x31: {  	[smem:$0x3FB4] =	sst s10  }
0x32: {  	s10 =	sld [smem:$0x3FB2];
	_ =	sdelay $0x3  }
0x33: {  	p0 =	seq.s32 s10, $0x1;
	s10 =	sld [smem:$0x3FB4];
	_ =	sdelay $0x3  }
0x34: {  	[smem:$0x3FB4] =	sst s10  }
0x35: {  	s10 =	sld [smem:$0x3FB3];
	_ =	sdelay $0x3  }
0x36: {  	p1 =	seq.s32 s10, $0x1;
	s10 =	sld [smem:$0x3FB4];
	_ =	sdelay $0x3  }
0x37: {  	[smem:$0x3FB4] =	sst s10  }
0x38: {  	s10 =	sld [smem:$0x3FB5]  }
0x39: {  	_ = 	snop;
	(pc) =	sbr.ind lr, $3  }
0x3a: {  	_ = 	snop  }
0x3b: {  	_ = 	snop  }
0x3c: {  	p2 =	seq.s32 s10, $0x1;
	s10 =	sld [smem:$0x3FB4]  }
0x3d: {  	_ =	shalt  }
0x3e: {  	_ =	shalt  }
0x3f: {  	_ =	shalt  }
0x40: {  	_ =	shalt  }
0x41: {  	_ =	shalt  }
0x42: {  	_ =	shalt  }
0x43: {  	_ =	shalt  }
0x44: {  	_ =	shalt  }
0x45: {  	_ =	shalt  }
0x46: {  	_ =	shalt  }
0x47: {  	_ =	shalt  }
0x48: {  	_ =	shalt  }
0x49: {  	_ =	shalt  }
0x4a: {  	_ =	shalt  }
0x4b: {  	_ =	shalt  }
0x4c: {  	_ =	shalt  }
0x4d: {  	_ =	shalt  }
0x4e: {  	_ =	shalt  }
0x4f: {  	_ =	shalt  }
0x50: {  	_ =	shalt  }
0x51: {  	_ =	shalt  }
0x52: {  	_ =	shalt  }
0x53: {  	_ =	shalt  }
0x54: {  	_ =	shalt  }
0x55: {  	_ =	shalt  }
0x56: {  	_ =	shalt  }
0x57: {  	_ =	shalt  }
0x58: {  	_ =	shalt  }
0x59: {  	_ =	shalt  }
0x5a: {  	_ =	shalt  }
0x5b: {  	_ =	shalt  }
0x5c: {  	_ =	shalt  }
0x5d: {  	_ =	shalt  }
0x5e: {  	_ =	shalt  }
0x5f: {  	_ =	shalt  }
0x60: {  	_ =	shalt  }
0x61: {  	_ =	shalt  }
0x62: {  	_ =	shalt  }
0x63: {  	_ =	shalt  }
0x64: {  	_ =	shalt  }
0x65: {  	_ =	shalt  }
0x66: {  	_ =	shalt  }
0x67: {  	_ =	shalt  }
0x68: {  	_ =	shalt  }
0x69: {  	_ =	shalt  }
0x6a: {  	_ =	shalt  }
0x6b: {  	_ =	shalt  }
0x6c: {  	_ =	shalt  }
0x6d: {  	_ =	shalt  }
0x6e: {  	_ =	shalt  }
0x6f: {  	_ =	shalt  }
0x70: {  	_ =	shalt  }
0x71: {  	_ =	shalt  }
0x72: {  	_ =	shalt  }
0x73: {  	_ =	shalt  }
0x74: {  	_ =	shalt  }
0x75: {  	_ =	shalt  }
0x76: {  	_ =	shalt  }
0x77: {  	_ =	shalt  }
0x78: {  	_ =	shalt  }
0x79: {  	_ =	shalt  }
0x7a: {  	_ =	shalt  }
0x7b: {  	_ =	shalt  }
0x7c: {  	_ =	shalt  }
0x7d: {  	_ =	shalt  }
0x7e: {  	_ =	shalt  }
0x7f: {  	_ =	shalt  }
0x80: {  	_ =	shalt  }
0x81: {  	_ =	shalt  }
0x82: {  	_ =	shalt  }
0x83: {  	_ =	shalt  }
0x84: {  	_ =	shalt  }
0x85: {  	_ =	shalt  }
0x86: {  	_ =	shalt  }
0x87: {  	_ =	shalt  }
.Lfunc_end0:
.L_simem_size_0:
called_computation_lowered:
.L_overlay_start_0:
0x88: {  	s2 =	sld [smem:$0x3FD9]  }
0x89: {  	s3 =	sld [smem:$0x3FFE];
	_ =	sdelay $0x1  }
0x8a: {  	s1 =	srdreg.scid  }
0x8b: {  	s0 =	sand.u32 $0x1, s1  }
0x8c: {  	s16 =	sshll.u32 s0, $0xA;
	s2 =	sadd.s32 s3, s2  }
0x8d: {  	s2 =	sadd.s32 s2, s16  }
0x8e: {  	[smem:$0x3FC0] =	sst s2  }
0x8f: {  	_ = 	snop  }
0x90: {  	(tm) =	ssettm $0x1  }
0x91: {  	s17 =	sld [smem:$0x3FFB];
	_ =	sdelay $0x3  }
0x92: {  	_ =	strace s17  }
0x93: {  	s2 =	sld [smem:$0x3FFC];
	_ =	sdelay $0x3  }
0x94: {  	_ =	strace s2  }
0x95: {  	s2 =	sld [smem:$0x3FFD];
	_ =	sdelay $0x3  }
0x96: {  	_ =	strace s2  }
0x97: {  	_ =	strace $0x8FFFFFFF  }
0x98: {  	s18 =	sld [smem:$0x3FDB];
	_ =	sdelay $0x1  }
0x99: {  	s19 =	simm.s32 $_scs_section_size  }
0x9a: {  	s4 =	simm.s32 $_size__tile_overlayer_lowered;
	s5 =	simm.s32 $_tile_overlayer_lowered  }
0x9b: {  	s22 =	simm.s32 $0x1BFF;
	s21 =	sshll.u32 s5, $0x1;
	s2 =	sadd.s32 s19, s18  }
0x9c: {  	s6 =	simm.s32 $0x0;
	s20 =	sshll.u32 s4, $0x1;
	s4 =	sadd.s32 s21, s2  }
0x9d: {  	[timem:s6], [sflag:s22] =	dma.local [hbm:s4], s20  }
0x9e: {  	_ =	swait.ge [sflag:s22], s20  }
0x9f: {  	s3 =	ssub.s32 $0x0, s20;
	[sflag:s22] =	ssyncset.done $0x0  }
0xa0: {  	[sflag:s22] =	ssyncadd.s32 s3;
	_ =	sdelay $0x1  }
0xa1: {  	s23 =	simm.s32 $0x1B8B  }
0xa2: {  	_ =	swait.ge [sflag:s23], $0x1  }
0xa3: {  	[sflag:s23] =	ssyncset.done $0x0  }
0xa4: {  	s25 =	simm.s32 $0x1B8E;
	s24 =	sld [smem:$0x3FFE];
	[sflag:s23] =	ssyncadd.s32 $0xFFFFFFFF  }
0xa5: {  	s26 =	simm.s32 $execute0_lowered;
	[smem:$0x3FD2] =	sst s25  }
0xa6: {  	s4 =	sshll.u32 s26, $0x1;
	_ =	strace $0x80000046;
	[dreg:$0x1] =	wrdreg $0xFFFFFFFF  }
0xa7: {  	s28 =	simm.s32 $_size_execute0_lowered;
	s2 =	sadd.s32 s2, s4;
	[dreg:$0x0] =	wrdreg $0x0  }
0xa8: {  	s4 =	sshll.u32 s28, $0x1;
	[dreg:$0x2] =	wrdreg s2  }
0xa9: {  	[dreg:$0x3] =	wrdreg s4  }
0xaa: {  	[dreg:$0x4] =	wrdreg $0xC0  }
0xab: {  	_ =	task [dreg:s6], $0x5FFFF  }
0xac: {  	[dreg:$0x1] =	wrdreg $0xFFFFFFFF  }
0xad: {  	[dreg:$0x0] =	wrdreg $0x60  }
0xae: {  	[dreg:$0x2] =	wrdreg s24  }
0xaf: {  	[dreg:$0x3] =	wrdreg $0x68000  }
0xb0: {  	[dreg:$0x4] =	wrdreg $0x9  }
0xb1: {  	_ =	task.clear_ibuf [dreg:s6], $0x5FFFF;
	_ =	strace $0x90000046  }
0xb2: {  	s29 =	simm.s32 $0x9;
	_ =	strace $0x80000048  }
0xb3: {  	_ =	swait.ge [sflag:s29], $0x1  }
0xb4: {  	[sflag:s29] =	ssyncadd.s32 $0xFFFFFFFF  }
0xb5: {  	_ =	strace $0x90000048  }
0xb6: {  	_ =	sfence  }
0xb7: {  	s30 =	sld [smem:$0x0];
	_ =	sdelay $0x2  }
0xb8: {  	s31 =	sshll.u32 s1, $0xD;
	s1 =	sshrl.u32 s1, $0x2  }
0xb9: {  	s3 =	sand.u32 $0x4000, s31;
	s1 =	sadd.s32 s1, s30  }
0xba: {  	s0 =	sor.u32 s3, s0;
	s1 =	sshll.u32 s1, $0x11  }
0xbb: {  	s0 =	sor.u32 s1, s0  }
0xbc: {  	s0 =	sadd.s32 $0x8F2B, s0  }
0xbd: {  	[sflag:s0] =	ssyncadd.remote.s32 $0x1  }
0xbe: {  	_ =	sfence.sel $0xFFFF  }
0xbf: {  	[dreg:$0x0] =	wrdreg $0xFFFFFFFF;
	(pc) =	sbr.abs _section_cstart, $3  }
0xc0: {  	[dreg:$0x1] =	wrdreg $0xFFFFFFFF  }
0xc1: {  	_ =	task.clear_ibuf [dreg:s6], $0x2FFFF;
	_ =	strace $0x9FFFFFFF  }
0xc2: {  	(tm) =	ssettm $0x7FFFFFFF  }
0xc3: {  	_ =	shalt  }
tec
execute0_lowered:
.L_overlay_start_1:
0x0: {  	(tag) =	ssettag $0x1  }
0x1: {  	s6 =	rddreg [dreg:$0x0]  }
0x2: {  	s0 =	srdreg.scid;
	s2 =	rddreg [dreg:$0x1]  }
0x3: {  	s3 =	simm.s32 $0x0;
	s5 =	sand.u32 $0x1, s0;
	s0 =	stileid.u32  }
0x4: {  	s13 =	simm.s32 $0x80;
	s14 =	simm.s32 $0x1;
	s7 =	smul.u32 $0x13C00, s0  }
0x5: {  	s15 =	simm.s32 $0x0;
	[smem:$0x7FF] =	sst s3;
	s8 =	smul.u32 $0x13C000, s5  }
0x6: {  	s1 =	sshll.u32 s5, $0x4;
	s5 =	ssub.s32 $0x2, s5;
	s28 =	smul.u32 $0x4F000, s0  }
0x7: {  	s31 =	sshll.u32 s0, $0x6;
	s1 =	sor.u32 s0, s1;
	s29 =	sshrl.u32 s5, $0x1  }
0x8: {  	s4 =	smul.u32 $0x500, s1;
	s1 =	rddreg [dreg:$0x2];
	_ =	strace $0x80000047  }
0x9: {  	s10 =	sshrl.u32 s7, $0x3;
	s7 =	sadd.s32 s7, s8;
	s11 =	ssub.s32 s5, s29  }
0xa: {  	s30 =	sshrl.u32 s28, $0x2;
	s7 =	sshrl.u32 s7, $0x3;
	s10 =	sadd.s32 s10, s6  }
0xb: {  	s12 =	sadd.s32 s30, s2;
	s8 =	smax.u32 s11, $0x1;
	s11 =	sor.u32 $0x1C02, s31  }
0xc: {  	s9 =	sadd.s32 s4, s6;
	s4 =	sadd.s32 $0x16C00, s6;
	s7 =	sadd.s32 s7, s6  }
0xd: {  	s6 =	sadd.s32 $0x17400, s10;
	s10 =	simm.s32 $0x2800;
	s12 =	sshrl.u32 s12, $0x3  }
0xe: {  	s5 =	sadd.s32 $0xCC00, s9;
	s7 =	sadd.s32 $0x3EC00, s7;
	s9 =	simm.s32 $0x2  }
.LBB2_1:
0xf: {  	[tilespmem:s3], [sflag:$0x2] =	stream.linear.gather [hbm4b:s5+s3], $0x2800, $0x38;
	[tilespmem:$0x1A400] =	vst v63  }
0x10: {  	_ =	swait.ge [sflag:s9], $0x2800  }
0x11: {  	[sflag:s9] =	ssyncset.done $0x0  }
0x12: {  	[sflag:s9] =	ssyncadd.s32 $0xFFFFD800  }
0x13: {  	[tilespmem:s10], [sflag:$0x2] =	stream.linear.gather [hbm4b:s4+s3], $0x4000, $0x38;
	[tilespmem:$0x1A400] =	vst v63  }
0x14: {  	_ =	swait.ge [sflag:s9], $0x4000  }
0x15: {  	[sflag:s9] =	ssyncset.done $0x0  }
0x16: {  	[sflag:s9] =	ssyncadd.s32 $0xFFFFC000  }
0x17: {  	[spmem:s12], [sflag:s11] =	dma.local [hbm:s6], $0x2780  }
0x18: {  	_ =	swait.ge [sflag:s9], $0x2780  }
0x19: {  	[sflag:s9] =	ssyncset.done $0x0  }
0x1a: {  	p0 =	por $0x1, $0x1;
	[sflag:s9] =	ssyncadd.s32 $0xFFFFD880  }
0x1b: {  	s18 =	simm.s32 @!p0 $0x1;
	[bflag:$0x0] =	sbarrier.arrive $0xFFFF  }
0x1c: {  	[spmem:s2] =	stream.indirect.scatter.add.f32 [tilespmem:s10], [sflag:$0x1], $0x80, s3, s13, $0xb8;
	[tilespmem:$0x1A400] =	vst v63  }
0x1d: {  	_ =	swait.ge @!p0 [sflag:s18], $0x4000  }
0x1e: {  	s16 =	simm.s32 $0x1;
	s17 =	simm.s32 $0x0;
	[sflag:s18] =	ssyncset.done @!p0 $0x0  }
.LBB2_2:
0x1f: {  	[sflag:s18] =	ssyncadd.s32 @!p0 $0xFFFFC000  }
0x20: {  	s17 =	sadd.s32 $0x80, s17;
	s18 =	smov.u32 s16;
	s16 =	sadd.s32 $0x1, s16  }
0x21: {  	p1 =	sne.s32 s16, $0x50  }
0x22: {  	[spmem:s2] =	stream.indirect.scatter.add.f32 [tilespmem:s10], [sflag:$0x1], $0x80, s17, s13, $0xb8;
	[tilespmem:$0x1A400] =	vst v63  }
.Ltmp0:
0x23: {  	_ = 	snop;
	(pc) =	sbr.rel @p1 .LBB2_2-.Ltmp0, $4  }
0x24: {  	p0 =	slt.u32 s18, $0x8  }
0x25: {  	s18 =	simm.s32 @!p0 $0x1  }
0x26: {  	_ =	swait.ge @!p0 [sflag:s18], $0x4000  }
0x27: {  	[sflag:s18] =	ssyncset.done @!p0 $0x0  }
0x28: {  	[sflag:s18] =	ssyncadd.s32 @!p0 $0xFFFFC000  }
0x29: {  	_ =	swait.ge [sflag:s14], $0x4000  }
0x2a: {  	[sflag:s14] =	ssyncset.done $0x0  }
0x2b: {  	[sflag:s14] =	ssyncadd.s32 $0xFFFFC000  }
0x2c: {  	_ =	swait.ge [sflag:s14], $0x4000  }
0x2d: {  	[sflag:s14] =	ssyncset.done $0x0  }
0x2e: {  	[sflag:s14] =	ssyncadd.s32 $0xFFFFC000  }
0x2f: {  	_ =	swait.ge [sflag:s14], $0x4000  }
0x30: {  	[sflag:s14] =	ssyncset.done $0x0  }
0x31: {  	[sflag:s14] =	ssyncadd.s32 $0xFFFFC000  }
0x32: {  	_ =	swait.ge [sflag:s14], $0x4000  }
0x33: {  	[sflag:s14] =	ssyncset.done $0x0  }
0x34: {  	[sflag:s14] =	ssyncadd.s32 $0xFFFFC000  }
0x35: {  	_ =	swait.ge [sflag:s14], $0x4000  }
0x36: {  	[sflag:s14] =	ssyncset.done $0x0  }
0x37: {  	[sflag:s14] =	ssyncadd.s32 $0xFFFFC000  }
0x38: {  	_ =	swait.ge [sflag:s14], $0x4000  }
0x39: {  	[sflag:s14] =	ssyncset.done $0x0  }
0x3a: {  	[sflag:s14] =	ssyncadd.s32 $0xFFFFC000  }
0x3b: {  	_ =	swait.ge [sflag:s14], $0x4000  }
0x3c: {  	[sflag:s14] =	ssyncset.done $0x0  }
0x3d: {  	[sflag:s14] =	ssyncadd.s32 $0xFFFFC000  }
0x3e: {  	_ =	swait.ge [sflag:s14], $0x4000  }
0x3f: {  	s15 =	sadd.s32 $0x1, s15;
	[sflag:s14] =	ssyncset.done $0x0  }
0x40: {  	p0 =	sne.s32 s15, s8;
	[sflag:s14] =	ssyncadd.s32 $0xFFFFC000  }
.Ltmp1:
0x41: {  	[bflag:$0x0] =	sbarrier.arrive $0xFFFF;
	(pc) =	sbr.rel @p0 .LBB2_1-.Ltmp1, $4  }
0x42: {  	[hbm:s7], [sflag:s11] =	dma.local [spmem:s12], $0x2780  }
0x43: {  	_ =	swait.ge [sflag:s9], $0x2780  }
0x44: {  	[sflag:s9] =	ssyncset.done $0x0  }
0x45: {  	[sflag:s9] =	ssyncadd.s32 $0xFFFFD880  }
0x46: {  	_ =	sfence.sel $0x180000  }
0x47: {  	[bflag:$0x0] =	sbarrier.arrive $0xFFFF  }
0x48: {  	p0 =	sne.s32 s0, $0x0;
	_ =	strace $0x90000047  }
0x49: {  	s0 =	sadd.s32 @!p0 $0x100000, s1;
	[bflag:$0x2] =	sbarrier.arrive $0xFFFF  }
0x4a: {  	[sflag:s0] =	ssyncadd.tile.s32 @!p0 $0x1;
	_ =	shalt  }
.Lfunc_end2:
_tile_overlayer_lowered:
.L_overlay_start_2:
0x4b: {  	(tag) =	ssettag $0x2  }
0x4c: {  	s0 =	rddreg [dreg:$0x0];
	s2 =	stileid.u32  }
0x4d: {  	s1 =	rddreg [dreg:$0x1];
	p0 =	sne.s32 s2, $0x0  }
0x4e: {  	s3 =	rddreg [dreg:$0x2];
	[bflag:$0x3] =	sbarrier.arrive $0xFFFF;
	s2 =	simm.s32 @!p0 $0x1C02  }
0x4f: {  	[timem:s3], [sflag:s2] =	dma.local @!p0 [hbm:s0], s1  }
0x50: {  	s0 =	simm.s32 @!p0 $0x2  }
0x51: {  	_ =	swait.ge @!p0 [sflag:s0], s1  }
0x52: {  	s1 =	ssub.s32 @!p0 $0x0, s1;
	[sflag:s0] =	ssyncset.done @!p0 $0x0  }
0x53: {  	[sflag:s0] =	ssyncadd.s32 @!p0 s1  }
0x54: {  	[bflag:$0x3] =	sbarrier.arrive $0xFFFF  }
0x55: {  	_ =	shalt  }

</sc_bundles>
